<compile_context>
chip_gen: v7x
topology: tpu7x:2x2x1
jax: 0.10.2.dev20260603
libtpu: 0.0.44.dev20260713+nightly
codegen_flags: <defaults>
</compile_context>

<pallas_src>
import jax
import jax.numpy as jnp
from jax import lax
from jax.experimental import pallas as pl
from jax.experimental.pallas import tpu as pltpu
from jax.experimental.pallas import tpu_sc as plsc

EMBED = 128
DM = 256
DI = 512
HID = 512
STEPS = 4
B = 4096
FEW = 5
SUP_PAD = 8

NW = 32
CHUNK = 128
CHUNKS_PER_W = 2
B_PER_W = CHUNK * CHUNKS_PER_W
SUP_IDX = 16
N_IDX = NW * B_PER_W + SUP_IDX


def _sc_gather_body(table_hbm, idxq_hbm, idxs_hbm, out_hbm, idx_v, idxs_v,
                    rows_v, sem, sem_s):
    wid = lax.axis_index("s") * 2 + lax.axis_index("c")
    out_base = pl.multiple_of(wid * B_PER_W, 8)
    pltpu.sync_copy(idxq_hbm.at[wid], idx_v)
    gathers = [
        pltpu.async_copy(table_hbm.at[idx_v.at[j]],
                         rows_v.at[pl.ds(j * CHUNK, CHUNK)], sem)
        for j in range(CHUNKS_PER_W)
    ]

    @pl.when(wid == 0)
    def _():
        pltpu.sync_copy(idxs_hbm, idxs_v)
        pltpu.async_copy(table_hbm.at[idxs_v],
                         rows_v.at[pl.ds(B_PER_W, SUP_IDX)], sem_s).wait()
        pltpu.async_copy(rows_v.at[pl.ds(B_PER_W, SUP_IDX)],
                         out_hbm.at[pl.ds(NW * B_PER_W, SUP_IDX)],
                         sem_s).wait()

    for g in gathers:
        g.wait()
    pltpu.sync_copy(rows_v.at[pl.ds(0, B_PER_W)],
                    out_hbm.at[pl.ds(out_base, B_PER_W)])


def _sc_gather(table, idxq, idxs):
    mesh = plsc.VectorSubcoreMesh(core_axis_name="c", subcore_axis_name="s")
    return pl.kernel(
        _sc_gather_body,
        mesh=mesh,
        out_type=jax.ShapeDtypeStruct((N_IDX, EMBED), jnp.float32),
        scratch_types=[
            pltpu.VMEM((CHUNKS_PER_W, CHUNK), jnp.int32),
            pltpu.VMEM((SUP_IDX,), jnp.int32),
            pltpu.VMEM((B_PER_W + SUP_IDX, EMBED), jnp.float32),
            pltpu.SemaphoreType.DMA,
            pltpu.SemaphoreType.DMA,
        ],
    )(table, idxq, idxs)


BT = 1024
GW = 4 * DM


def _dotT(a, b):
    return lax.dot_general(a, b, (((1,), (1,)), ((), ())),
                           preferred_element_type=jnp.float32)


def _tc_body(q_ref, s_ref, p1w_ref, p1b_ref, p2w_ref, p2b_ref, lna_ref,
             lnb_ref, wih_ref, whh_ref, bsum_ref, out_ref):
    wihx = jnp.reshape(wih_ref[...], (GW, DM))
    whhx = jnp.reshape(whh_ref[...], (GW, 2 * DM))
    whh1x = whhx[:, :DM]
    whh2x = whhx[:, DM:]
    bsumx = jnp.reshape(bsum_ref[...], (1, GW))
    s = jnp.reshape(s_ref[...], (SUP_PAD, DM))
    h1 = jnp.maximum(_dotT(s, p1w_ref[...]) + p1b_ref[...], 0.0)
    z = _dotT(h1, p2w_ref[...]) + p2b_ref[...] + s
    mu = jnp.mean(z, axis=-1, keepdims=True)
    var = jnp.sum((z - mu) ** 2, axis=-1, keepdims=True) / (DM - 1)
    sg = (z - mu) / (jnp.sqrt(var) + 1e-6) * lna_ref[...] + lnb_ref[...]
    row_ids = lax.broadcasted_iota(jnp.int32, (SUP_PAD, DM), 0)
    sg = jnp.where(row_ids < FEW, sg, 0.0)

    m = _dotT(sg, whh2x)

    q = jnp.reshape(q_ref[...], (BT, DM))
    gq = _dotT(q, wihx) + bsumx

    col_ids = lax.broadcasted_iota(jnp.int32, (BT, SUP_PAD), 1)
    logit_mask = jnp.where(col_ids < FEW, 0.0, -1e30)

    c = jnp.zeros((BT, DM), jnp.float32)
    h = q
    gates = gq
    for step in range(STEPS):
        if step > 0:
            att = jax.nn.softmax(_dotT(h, sg) + logit_mask, axis=-1)
            gates = (gq + _dotT(h, whh1x)
                     + lax.dot_general(att, m, (((1,), (0,)), ((), ())),
                                       preferred_element_type=jnp.float32))
        i = jax.nn.sigmoid(gates[:, :DM])
        f = jax.nn.sigmoid(gates[:, DM:2 * DM])
        g = jnp.tanh(gates[:, 2 * DM:3 * DM])
        o = jax.nn.sigmoid(gates[:, 3 * DM:])
        c = f * c + i * g
        h = q + o * jnp.tanh(c)
    out_ref[...] = _dotT(h, sg)[:, :FEW]


def _tc_call(rows, p1w, p1b, p2w, p2b, lna, lnb, wih3, whh3, bsum2):
    full = lambda shape: pl.BlockSpec(shape, lambda i: (0, 0))
    full3 = lambda shape: pl.BlockSpec(shape, lambda i: (0, 0, 0))
    return pl.pallas_call(
        _tc_body,
        grid=(B // BT,),
        in_specs=[
            pl.BlockSpec((2 * BT, EMBED), lambda i: (i, 0)),
            pl.BlockSpec((2 * SUP_PAD, EMBED), lambda i: (2 * B // (2 * SUP_PAD), 0)),
            full((DI, DM)),
            full((1, DI)),
            full((DM, DI)),
            full((1, DM)),
            full((1, DM)),
            full((1, DM)),
            full3((4, DM, DM)),
            full3((4, DM, 2 * DM)),
            full((4, DM)),
        ],
        out_specs=pl.BlockSpec((BT, FEW), lambda i: (i, 0)),
        out_shape=jax.ShapeDtypeStruct((B, FEW), jnp.float32),
    )(rows, rows, p1w, p1b, p2w, p2b, lna, lnb, wih3, whh3, bsum2)


def kernel(query, support, table, proj1_w, proj1_b, proj2_w, proj2_b,
           ln_a, ln_b, w_ih, w_hh, b_ih, b_hh):
    qi = query.reshape(-1).astype(jnp.int32)
    si = support.reshape(-1).astype(jnp.int32)
    idxq = qi.reshape(NW, CHUNKS_PER_W, CHUNK)
    idxs = jnp.concatenate(
        [si, jnp.zeros((SUP_IDX - si.shape[0],), jnp.int32)])

    rows = _sc_gather(table, idxq, idxs)

    return _tc_call(
        rows, proj1_w, proj1_b.reshape(1, DI), proj2_w,
        proj2_b.reshape(1, DM), ln_a.reshape(1, DM), ln_b.reshape(1, DM),
        w_ih.reshape(4, HID, DM), w_hh.reshape(4, HID, 2 * DM),
        (b_ih + b_hh).reshape(4, HID))

# --- scband reference (transcript-rebuilt; emitter-appended) ---
"""Pipeline reference for scband-embed-matcher-1786706395769 (READ-ONLY COPY).

The authoritative reference and input builder live on the scoring server;
editing this copy changes nothing except your own understanding.
"""

import jax, jax.numpy as jnp
import numpy as np

EMBED_DIM = 128
NUM_SYMBOLS = 100000
D_MODEL = 2 * EMBED_DIM
D_INNER = 2 * D_MODEL
HIDDEN = 2 * D_MODEL
PROCESS_STEPS = 4
BATCH = 4096
FEW = 5


def setup_inputs(seed: int = 0):
    key = jax.random.key(seed)
    ks = jax.random.split(key, 8)
    query = jax.random.randint(ks[0], (BATCH, 2), 0, NUM_SYMBOLS)
    support = jax.random.randint(ks[1], (FEW, 2), 0, NUM_SYMBOLS)
    table = jax.random.normal(ks[2], (NUM_SYMBOLS + 1, EMBED_DIM), dtype=jnp.float32) * 0.02
    table = table.at[NUM_SYMBOLS].set(0.0)
    proj1_w = jax.random.normal(ks[3], (D_INNER, D_MODEL), dtype=jnp.float32) * (1.0 / np.sqrt(D_MODEL))
    proj1_b = jnp.zeros((D_INNER,), dtype=jnp.float32)
    proj2_w = jax.random.normal(ks[4], (D_MODEL, D_INNER), dtype=jnp.float32) * (1.0 / np.sqrt(D_INNER))
    proj2_b = jnp.zeros((D_MODEL,), dtype=jnp.float32)
    ln_a = jnp.ones((D_MODEL,), dtype=jnp.float32)
    ln_b = jnp.zeros((D_MODEL,), dtype=jnp.float32)
    w_ih = jax.random.normal(ks[5], (4 * HIDDEN, D_MODEL), dtype=jnp.float32) * (1.0 / np.sqrt(HIDDEN))
    w_hh = jax.random.normal(ks[6], (4 * HIDDEN, HIDDEN), dtype=jnp.float32) * (1.0 / np.sqrt(HIDDEN))
    b_ih = jnp.zeros((4 * HIDDEN,), dtype=jnp.float32)
    b_hh = jnp.zeros((4 * HIDDEN,), dtype=jnp.float32)
    return {"query": query, "support": support, "table": table, "proj1_w": proj1_w, "proj1_b": proj1_b, "proj2_w": proj2_w, "proj2_b": proj2_b, "ln_a": ln_a, "ln_b": ln_b, "w_ih": w_ih, "w_hh": w_hh, "b_ih": b_ih, "b_hh": b_hh}


def _support_encoder(s, proj1_w, proj1_b, proj2_w, proj2_b, ln_a, ln_b):
    residual = s
    out = jax.nn.relu(s @ proj1_w.T + proj1_b)
    out = out @ proj2_w.T + proj2_b
    z = out + residual
    mu = jnp.mean(z, axis=-1, keepdims=True)
    sigma = jnp.std(z, axis=-1, keepdims=True, ddof=1)
    return (z - mu) / (sigma + 1e-6) * ln_a + ln_b


def _query_encoder(support_g, q, w_ih, w_hh, b_ih, b_hh):
    B = q.shape[0]
    h_r = jnp.zeros((B, HIDDEN), dtype=q.dtype)
    c = jnp.zeros((B, HIDDEN), dtype=q.dtype)
    h = q
    for _ in range(PROCESS_STEPS):
        gates = q @ w_ih.T + b_ih + h_r @ w_hh.T + b_hh
        i, f, g, o = jnp.split(gates, 4, axis=1)
        i = jax.nn.sigmoid(i)
        f = jax.nn.sigmoid(f)
        g = jnp.tanh(g)
        o = jax.nn.sigmoid(o)
        c = f * c + i * g
        h_cell = o * jnp.tanh(c)
        h = q + h_cell[:, :D_MODEL]
        attn = jax.nn.softmax(h @ support_g.T, axis=1)
        r = attn @ support_g
        h_r = jnp.concatenate([h, r], axis=1)
    return h


def reference(query, support, table, proj1_w, proj1_b, proj2_w, proj2_b, ln_a, ln_b, w_ih, w_hh, b_ih, b_hh):
    # dropout layers are identity in eval mode
    s = jnp.take(table, support, axis=0).reshape(-1, D_MODEL)
    q = jnp.take(table, query, axis=0).reshape(-1, D_MODEL)
    support_g = _support_encoder(s[None, :, :], proj1_w, proj1_b, proj2_w, proj2_b, ln_a, ln_b)[0]
    query_f = _query_encoder(support_g, q, w_ih, w_hh, b_ih, b_hh)
    matching_scores = query_f @ support_g.T
    return jnp.squeeze(matching_scores)

if __name__ == "__main__":
    import jax
    _d = setup_inputs()
    print(jax.jit(kernel)(*tuple(_d.values())))

</pallas_src>

<mosaic_0001>
#map = affine_map<(d0, d1) -> (0, 0)>
#map1 = affine_map<(d0, d1) -> (0, 0, 0)>
#map2 = affine_map<(d0, d1) -> (0)>
module attributes {stable_mosaic.version = 14 : i64} {
  func.func @_sc_gather_body(%arg0: i32, %arg1: i32, %arg2: memref<100001x128xf32, #tpu.memory_space<hbm>>, %arg3: memref<32x2x128xi32, #tpu.memory_space<hbm>>, %arg4: memref<16xi32, #tpu.memory_space<hbm>>, %arg5: memref<8208x128xf32, #tpu.memory_space<hbm>>, %arg6: memref<2x128xi32, #tpu.memory_space<vmem>>, %arg7: memref<16xi32, #tpu.memory_space<vmem>>, %arg8: memref<272x128xf32, #tpu.memory_space<vmem>>, %arg9: memref<!tpu.dma_semaphore, #tpu.memory_space<semaphore_mem>>, %arg10: memref<!tpu.dma_semaphore, #tpu.memory_space<semaphore_mem>>) attributes {dimension_semantics = [#tpu.dimension_semantics<core_parallel>, #tpu.dimension_semantics<subcore_parallel>], iteration_bounds = array<i64: 2, 16>, scalar_prefetch = 0 : i64, scratch_operands = 5 : i64, tpu.core_type = #tpu.core_type<sc_vector_subcore>, window_params = [{transform_indices = #map}, {transform_indices = #map1}, {transform_indices = #map2}, {transform_indices = #map}]} {
    %mul3A = arith.constant 2 : i32
    %mul3A_0 = arith.muli %arg1, %mul3A : i32
    %add3A = arith.addi %mul3A_0, %arg0 : i32
    %mul3A_1 = arith.constant 256 : i32
    %mul3A_2 = arith.muli %add3A, %mul3A_1 : i32
    %multiple_of3A = tpu.assume_multiple %mul3A_2, 8 : i32
    "tpu.region"() ({
      %run_scoped3A = tpu.sem_alloc : memref<!tpu.dma_semaphore, #tpu.memory_space<semaphore_mem>>
      %dma_start3A_43 = arith.constant 0 : i32
      %dma_start3A_44 = arith.constant 0 : i32
      %dma_start3A_45 = tpu.memref_slice %arg3[%add3A, %dma_start3A_43, %dma_start3A_44] : memref<32x2x128xi32, #tpu.memory_space<hbm>> -> memref<1x2x128xi32, #tpu.memory_space<hbm>>
      %dma_start3A_46 = tpu.memref_squeeze %dma_start3A_45 : memref<1x2x128xi32, #tpu.memory_space<hbm>> -> memref<2x128xi32, #tpu.memory_space<hbm>>
      %dma_start3A_47 = arith.constant 0 : i32
      %dma_start3A_48 = arith.constant 0 : i32
      %dma_start3A_49 = tpu.memref_slice %arg3[%add3A, %dma_start3A_47, %dma_start3A_48] : memref<32x2x128xi32, #tpu.memory_space<hbm>> -> memref<1x2x128xi32, #tpu.memory_space<hbm>>
      %dma_start3A_50 = tpu.memref_squeeze %dma_start3A_49 : memref<1x2x128xi32, #tpu.memory_space<hbm>> -> memref<2x128xi32, #tpu.memory_space<hbm>>
      tpu.enqueue_dma source(%dma_start3A_50 : memref<2x128xi32, #tpu.memory_space<hbm>>) target(%arg6 : memref<2x128xi32, #tpu.memory_space<vmem>>) target_semaphore(%run_scoped3A : memref<!tpu.dma_semaphore, #tpu.memory_space<semaphore_mem>>)
      %dma_wait3A_51 = arith.constant 0 : i32
      %dma_wait3A_52 = arith.constant 0 : i32
      %dma_wait3A_53 = tpu.memref_slice %arg3[%add3A, %dma_wait3A_51, %dma_wait3A_52] : memref<32x2x128xi32, #tpu.memory_space<hbm>> -> memref<1x2x128xi32, #tpu.memory_space<hbm>>
      %dma_wait3A_54 = tpu.memref_squeeze %dma_wait3A_53 : memref<1x2x128xi32, #tpu.memory_space<hbm>> -> memref<2x128xi32, #tpu.memory_space<hbm>>
      %dma_wait3A_55 = arith.constant 0 : i32
      %dma_wait3A_56 = arith.constant 0 : i32
      %dma_wait3A_57 = tpu.memref_slice %arg3[%add3A, %dma_wait3A_55, %dma_wait3A_56] : memref<32x2x128xi32, #tpu.memory_space<hbm>> -> memref<1x2x128xi32, #tpu.memory_space<hbm>>
      %dma_wait3A_58 = tpu.memref_squeeze %dma_wait3A_57 : memref<1x2x128xi32, #tpu.memory_space<hbm>> -> memref<2x128xi32, #tpu.memory_space<hbm>>
      tpu.wait_dma2 semaphore(%run_scoped3A : memref<!tpu.dma_semaphore, #tpu.memory_space<semaphore_mem>>) src(%dma_wait3A_58 : memref<2x128xi32, #tpu.memory_space<hbm>>) dst(%arg6 : memref<2x128xi32, #tpu.memory_space<vmem>>)
      tpu.yield
    }) : () -> ()
    %dma_start3A = arith.constant 0 : i32
    %dma_start3A_3 = arith.constant 0 : i32
    %dma_start3A_4 = arith.constant 0 : i32
    %dma_start3A_5 = tpu.memref_slice %arg8[%dma_start3A_3, %dma_start3A_4] : memref<272x128xf32, #tpu.memory_space<vmem>> -> memref<128x128xf32, #tpu.memory_space<vmem>>
    %dma_start3A_6 = arith.constant 0 : i32
    %dma_start3A_7 = tpu.memref_slice %arg6[%dma_start3A, %dma_start3A_6] : memref<2x128xi32, #tpu.memory_space<vmem>> -> memref<1x128xi32, #tpu.memory_space<vmem>>
    %dma_start3A_8 = tpu.memref_squeeze %dma_start3A_7 : memref<1x128xi32, #tpu.memory_space<vmem>> -> memref<128xi32, #tpu.memory_space<vmem>>
    %dma_start3A_9 = arith.constant 0 : i32
    %dma_start3A_10 = arith.constant 0 : i32
    %dma_start3A_11 = tpu.memref_slice %arg2[%dma_start3A_9, %dma_start3A_10] : memref<100001x128xf32, #tpu.memory_space<hbm>> -> memref<100001x128xf32, #tpu.memory_space<hbm>>
    tpu.enqueue_indirect_dma source(%dma_start3A_11 : memref<100001x128xf32, #tpu.memory_space<hbm>>) target(%dma_start3A_5 : memref<128x128xf32, #tpu.memory_space<vmem>>) offsets(%dma_start3A_8 : memref<128xi32, #tpu.memory_space<vmem>>) semaphore(%arg9 : memref<!tpu.dma_semaphore, #tpu.memory_space<semaphore_mem>>)
    %dma_start3A_12 = arith.constant 1 : i32
    %dma_start3A_13 = arith.constant 128 : i32
    %dma_start3A_14 = arith.constant 0 : i32
    %dma_start3A_15 = tpu.memref_slice %arg8[%dma_start3A_13, %dma_start3A_14] : memref<272x128xf32, #tpu.memory_space<vmem>> -> memref<128x128xf32, #tpu.memory_space<vmem>>
    %dma_start3A_16 = arith.constant 0 : i32
    %dma_start3A_17 = tpu.memref_slice %arg6[%dma_start3A_12, %dma_start3A_16] : memref<2x128xi32, #tpu.memory_space<vmem>> -> memref<1x128xi32, #tpu.memory_space<vmem>>
    %dma_start3A_18 = tpu.memref_squeeze %dma_start3A_17 : memref<1x128xi32, #tpu.memory_space<vmem>> -> memref<128xi32, #tpu.memory_space<vmem>>
    %dma_start3A_19 = arith.constant 0 : i32
    %dma_start3A_20 = arith.constant 0 : i32
    %dma_start3A_21 = tpu.memref_slice %arg2[%dma_start3A_19, %dma_start3A_20] : memref<100001x128xf32, #tpu.memory_space<hbm>> -> memref<100001x128xf32, #tpu.memory_space<hbm>>
    tpu.enqueue_indirect_dma source(%dma_start3A_21 : memref<100001x128xf32, #tpu.memory_space<hbm>>) target(%dma_start3A_15 : memref<128x128xf32, #tpu.memory_space<vmem>>) offsets(%dma_start3A_18 : memref<128xi32, #tpu.memory_space<vmem>>) semaphore(%arg9 : memref<!tpu.dma_semaphore, #tpu.memory_space<semaphore_mem>>)
    %eq3A = arith.constant 0 : i32
    %eq3A_22 = arith.cmpi eq, %add3A, %eq3A : i32
    %convert_element_type3A = arith.extui %eq3A_22 : i1 to i32
    %cond3A = arith.constant 0 : i32
    %cond3A_23 = arith.cmpi ne, %convert_element_type3A, %cond3A : i32
    scf.if %cond3A_23 {
      "tpu.region"() ({
        %run_scoped3A = tpu.sem_alloc : memref<!tpu.dma_semaphore, #tpu.memory_space<semaphore_mem>>
        tpu.enqueue_dma source(%arg4 : memref<16xi32, #tpu.memory_space<hbm>>) target(%arg7 : memref<16xi32, #tpu.memory_space<vmem>>) target_semaphore(%run_scoped3A : memref<!tpu.dma_semaphore, #tpu.memory_space<semaphore_mem>>)
        tpu.wait_dma2 semaphore(%run_scoped3A : memref<!tpu.dma_semaphore, #tpu.memory_space<semaphore_mem>>) src(%arg4 : memref<16xi32, #tpu.memory_space<hbm>>) dst(%arg7 : memref<16xi32, #tpu.memory_space<vmem>>)
        tpu.yield
      }) : () -> ()
      %dma_start3A_43 = arith.constant 256 : i32
      %dma_start3A_44 = arith.constant 0 : i32
      %dma_start3A_45 = tpu.memref_slice %arg8[%dma_start3A_43, %dma_start3A_44] : memref<272x128xf32, #tpu.memory_space<vmem>> -> memref<16x128xf32, #tpu.memory_space<vmem>>
      %dma_start3A_46 = arith.constant 0 : i32
      %dma_start3A_47 = arith.constant 0 : i32
      %dma_start3A_48 = tpu.memref_slice %arg2[%dma_start3A_46, %dma_start3A_47] : memref<100001x128xf32, #tpu.memory_space<hbm>> -> memref<100001x128xf32, #tpu.memory_space<hbm>>
      tpu.enqueue_indirect_dma source(%dma_start3A_48 : memref<100001x128xf32, #tpu.memory_space<hbm>>) target(%dma_start3A_45 : memref<16x128xf32, #tpu.memory_space<vmem>>) offsets(%arg7 : memref<16xi32, #tpu.memory_space<vmem>>) semaphore(%arg10 : memref<!tpu.dma_semaphore, #tpu.memory_space<semaphore_mem>>)
      %dma_wait3A_49 = arith.constant 256 : i32
      %dma_wait3A_50 = arith.constant 0 : i32
      %dma_wait3A_51 = tpu.memref_slice %arg8[%dma_wait3A_49, %dma_wait3A_50] : memref<272x128xf32, #tpu.memory_space<vmem>> -> memref<16x128xf32, #tpu.memory_space<vmem>>
      %dma_wait3A_52 = arith.constant 0 : i32
      %dma_wait3A_53 = arith.constant 0 : i32
      %dma_wait3A_54 = tpu.memref_slice %arg2[%dma_wait3A_52, %dma_wait3A_53] : memref<100001x128xf32, #tpu.memory_space<hbm>> -> memref<100001x128xf32, #tpu.memory_space<hbm>>
      tpu.wait_indirect_dma semaphore(%arg10 : memref<!tpu.dma_semaphore, #tpu.memory_space<semaphore_mem>>) src(%dma_wait3A_54 : memref<100001x128xf32, #tpu.memory_space<hbm>>) dst(%dma_wait3A_51 : memref<16x128xf32, #tpu.memory_space<vmem>>)
      %dma_start3A_55 = arith.constant 256 : i32
      %dma_start3A_56 = arith.constant 0 : i32
      %dma_start3A_57 = tpu.memref_slice %arg8[%dma_start3A_55, %dma_start3A_56] : memref<272x128xf32, #tpu.memory_space<vmem>> -> memref<16x128xf32, #tpu.memory_space<vmem>>
      %dma_start3A_58 = arith.constant 8192 : i32
      %dma_start3A_59 = arith.constant 0 : i32
      %dma_start3A_60 = tpu.memref_slice %arg5[%dma_start3A_58, %dma_start3A_59] : memref<8208x128xf32, #tpu.memory_space<hbm>> -> memref<16x128xf32, #tpu.memory_space<hbm>>
      %dma_start3A_61 = arith.constant 8192 : i32
      %dma_start3A_62 = arith.constant 0 : i32
      %dma_start3A_63 = tpu.memref_slice %arg5[%dma_start3A_61, %dma_start3A_62] : memref<8208x128xf32, #tpu.memory_space<hbm>> -> memref<16x128xf32, #tpu.memory_space<hbm>>
      %dma_start3A_64 = arith.constant 256 : i32
      %dma_start3A_65 = arith.constant 0 : i32
      %dma_start3A_66 = tpu.memref_slice %arg8[%dma_start3A_64, %dma_start3A_65] : memref<272x128xf32, #tpu.memory_space<vmem>> -> memref<16x128xf32, #tpu.memory_space<vmem>>
      tpu.enqueue_dma source(%dma_start3A_66 : memref<16x128xf32, #tpu.memory_space<vmem>>) target(%dma_start3A_63 : memref<16x128xf32, #tpu.memory_space<hbm>>) target_semaphore(%arg10 : memref<!tpu.dma_semaphore, #tpu.memory_space<semaphore_mem>>)
      %dma_wait3A_67 = arith.constant 256 : i32
      %dma_wait3A_68 = arith.constant 0 : i32
      %dma_wait3A_69 = tpu.memref_slice %arg8[%dma_wait3A_67, %dma_wait3A_68] : memref<272x128xf32, #tpu.memory_space<vmem>> -> memref<16x128xf32, #tpu.memory_space<vmem>>
      %dma_wait3A_70 = arith.constant 8192 : i32
      %dma_wait3A_71 = arith.constant 0 : i32
      %dma_wait3A_72 = tpu.memref_slice %arg5[%dma_wait3A_70, %dma_wait3A_71] : memref<8208x128xf32, #tpu.memory_space<hbm>> -> memref<16x128xf32, #tpu.memory_space<hbm>>
      %dma_wait3A_73 = arith.constant 8192 : i32
      %dma_wait3A_74 = arith.constant 0 : i32
      %dma_wait3A_75 = tpu.memref_slice %arg5[%dma_wait3A_73, %dma_wait3A_74] : memref<8208x128xf32, #tpu.memory_space<hbm>> -> memref<16x128xf32, #tpu.memory_space<hbm>>
      %dma_wait3A_76 = arith.constant 256 : i32
      %dma_wait3A_77 = arith.constant 0 : i32
      %dma_wait3A_78 = tpu.memref_slice %arg8[%dma_wait3A_76, %dma_wait3A_77] : memref<272x128xf32, #tpu.memory_space<vmem>> -> memref<16x128xf32, #tpu.memory_space<vmem>>
      tpu.wait_dma2 semaphore(%arg10 : memref<!tpu.dma_semaphore, #tpu.memory_space<semaphore_mem>>) src(%dma_wait3A_78 : memref<16x128xf32, #tpu.memory_space<vmem>>) dst(%dma_wait3A_75 : memref<16x128xf32, #tpu.memory_space<hbm>>)
    } else {
    }
    %dma_wait3A = arith.constant 0 : i32
    %dma_wait3A_24 = arith.constant 0 : i32
    %dma_wait3A_25 = arith.constant 0 : i32
    %dma_wait3A_26 = tpu.memref_slice %arg8[%dma_wait3A_24, %dma_wait3A_25] : memref<272x128xf32, #tpu.memory_space<vmem>> -> memref<128x128xf32, #tpu.memory_space<vmem>>
    %dma_wait3A_27 = arith.constant 0 : i32
    %dma_wait3A_28 = tpu.memref_slice %arg6[%dma_wait3A, %dma_wait3A_27] : memref<2x128xi32, #tpu.memory_space<vmem>> -> memref<1x128xi32, #tpu.memory_space<vmem>>
    %dma_wait3A_29 = tpu.memref_squeeze %dma_wait3A_28 : memref<1x128xi32, #tpu.memory_space<vmem>> -> memref<128xi32, #tpu.memory_space<vmem>>
    %dma_wait3A_30 = arith.constant 0 : i32
    %dma_wait3A_31 = arith.constant 0 : i32
    %dma_wait3A_32 = tpu.memref_slice %arg2[%dma_wait3A_30, %dma_wait3A_31] : memref<100001x128xf32, #tpu.memory_space<hbm>> -> memref<100001x128xf32, #tpu.memory_space<hbm>>
    tpu.wait_indirect_dma semaphore(%arg9 : memref<!tpu.dma_semaphore, #tpu.memory_space<semaphore_mem>>) src(%dma_wait3A_32 : memref<100001x128xf32, #tpu.memory_space<hbm>>) dst(%dma_wait3A_26 : memref<128x128xf32, #tpu.memory_space<vmem>>)
    %dma_wait3A_33 = arith.constant 1 : i32
    %dma_wait3A_34 = arith.constant 128 : i32
    %dma_wait3A_35 = arith.constant 0 : i32
    %dma_wait3A_36 = tpu.memref_slice %arg8[%dma_wait3A_34, %dma_wait3A_35] : memref<272x128xf32, #tpu.memory_space<vmem>> -> memref<128x128xf32, #tpu.memory_space<vmem>>
    %dma_wait3A_37 = arith.constant 0 : i32
    %dma_wait3A_38 = tpu.memref_slice %arg6[%dma_wait3A_33, %dma_wait3A_37] : memref<2x128xi32, #tpu.memory_space<vmem>> -> memref<1x128xi32, #tpu.memory_space<vmem>>
    %dma_wait3A_39 = tpu.memref_squeeze %dma_wait3A_38 : memref<1x128xi32, #tpu.memory_space<vmem>> -> memref<128xi32, #tpu.memory_space<vmem>>
    %dma_wait3A_40 = arith.constant 0 : i32
    %dma_wait3A_41 = arith.constant 0 : i32
    %dma_wait3A_42 = tpu.memref_slice %arg2[%dma_wait3A_40, %dma_wait3A_41] : memref<100001x128xf32, #tpu.memory_space<hbm>> -> memref<100001x128xf32, #tpu.memory_space<hbm>>
    tpu.wait_indirect_dma semaphore(%arg9 : memref<!tpu.dma_semaphore, #tpu.memory_space<semaphore_mem>>) src(%dma_wait3A_42 : memref<100001x128xf32, #tpu.memory_space<hbm>>) dst(%dma_wait3A_36 : memref<128x128xf32, #tpu.memory_space<vmem>>)
    "tpu.region"() ({
      %run_scoped3A = tpu.sem_alloc : memref<!tpu.dma_semaphore, #tpu.memory_space<semaphore_mem>>
      %dma_start3A_43 = arith.constant 0 : i32
      %dma_start3A_44 = arith.constant 0 : i32
      %dma_start3A_45 = tpu.memref_slice %arg8[%dma_start3A_43, %dma_start3A_44] : memref<272x128xf32, #tpu.memory_space<vmem>> -> memref<256x128xf32, #tpu.memory_space<vmem>>
      %dma_start3A_46 = arith.constant 0 : i32
      %dma_start3A_47 = tpu.memref_slice %arg5[%multiple_of3A, %dma_start3A_46] : memref<8208x128xf32, #tpu.memory_space<hbm>> -> memref<256x128xf32, #tpu.memory_space<hbm>>
      %dma_start3A_48 = arith.constant 0 : i32
      %dma_start3A_49 = tpu.memref_slice %arg5[%multiple_of3A, %dma_start3A_48] : memref<8208x128xf32, #tpu.memory_space<hbm>> -> memref<256x128xf32, #tpu.memory_space<hbm>>
      %dma_start3A_50 = arith.constant 0 : i32
      %dma_start3A_51 = arith.constant 0 : i32
      %dma_start3A_52 = tpu.memref_slice %arg8[%dma_start3A_50, %dma_start3A_51] : memref<272x128xf32, #tpu.memory_space<vmem>> -> memref<256x128xf32, #tpu.memory_space<vmem>>
      tpu.enqueue_dma source(%dma_start3A_52 : memref<256x128xf32, #tpu.memory_space<vmem>>) target(%dma_start3A_49 : memref<256x128xf32, #tpu.memory_space<hbm>>) target_semaphore(%run_scoped3A : memref<!tpu.dma_semaphore, #tpu.memory_space<semaphore_mem>>)
      %dma_wait3A_53 = arith.constant 0 : i32
      %dma_wait3A_54 = arith.constant 0 : i32
      %dma_wait3A_55 = tpu.memref_slice %arg8[%dma_wait3A_53, %dma_wait3A_54] : memref<272x128xf32, #tpu.memory_space<vmem>> -> memref<256x128xf32, #tpu.memory_space<vmem>>
      %dma_wait3A_56 = arith.constant 0 : i32
      %dma_wait3A_57 = tpu.memref_slice %arg5[%multiple_of3A, %dma_wait3A_56] : memref<8208x128xf32, #tpu.memory_space<hbm>> -> memref<256x128xf32, #tpu.memory_space<hbm>>
      %dma_wait3A_58 = arith.constant 0 : i32
      %dma_wait3A_59 = tpu.memref_slice %arg5[%multiple_of3A, %dma_wait3A_58] : memref<8208x128xf32, #tpu.memory_space<hbm>> -> memref<256x128xf32, #tpu.memory_space<hbm>>
      %dma_wait3A_60 = arith.constant 0 : i32
      %dma_wait3A_61 = arith.constant 0 : i32
      %dma_wait3A_62 = tpu.memref_slice %arg8[%dma_wait3A_60, %dma_wait3A_61] : memref<272x128xf32, #tpu.memory_space<vmem>> -> memref<256x128xf32, #tpu.memory_space<vmem>>
      tpu.wait_dma2 semaphore(%run_scoped3A : memref<!tpu.dma_semaphore, #tpu.memory_space<semaphore_mem>>) src(%dma_wait3A_62 : memref<256x128xf32, #tpu.memory_space<vmem>>) dst(%dma_wait3A_59 : memref<256x128xf32, #tpu.memory_space<hbm>>)
      tpu.yield
    }) : () -> ()
    return
  }
}

module attributes {stable_mosaic.version = 14 : i64} {
  func.func @_tc_body(%arg0: i32, %arg1: memref<2048x128xf32, #tpu.memory_space<vmem>>, %arg2: memref<16x128xf32, #tpu.memory_space<vmem>>, %arg3: memref<512x256xf32, #tpu.memory_space<vmem>>, %arg4: memref<1x512xf32, #tpu.memory_space<vmem>>, %arg5: memref<256x512xf32, #tpu.memory_space<vmem>>, %arg6: memref<1x256xf32, #tpu.memory_space<vmem>>, %arg7: memref<1x256xf32, #tpu.memory_space<vmem>>, %arg8: memref<1x256xf32, #tpu.memory_space<vmem>>, %arg9: memref<4x256x256xf32, #tpu.memory_space<vmem>>, %arg10: memref<4x256x512xf32, #tpu.memory_space<vmem>>, %arg11: memref<4x256xf32, #tpu.memory_space<vmem>>, %arg12: memref<1024x5xf32, #tpu.memory_space<vmem>>) attributes {dimension_semantics = [#tpu.dimension_semantics<arbitrary>], iteration_bounds = array<i64: 4>, scalar_prefetch = 0 : i64, scratch_operands = 0 : i64, tpu.core_type = #tpu.core_type<tc>, window_params = [{transform_indices = @transform_0, window_bounds = array<i64: 2048, 128>}, {transform_indices = @transform_1, window_bounds = array<i64: 16, 128>}, {pipeline_mode = #tpu.pipeline_mode<synchronous>, transform_indices = @transform_2, window_bounds = array<i64: 512, 256>}, {pipeline_mode = #tpu.pipeline_mode<synchronous>, transform_indices = @transform_3, window_bounds = array<i64: 1, 512>}, {pipeline_mode = #tpu.pipeline_mode<synchronous>, transform_indices = @transform_4, window_bounds = array<i64: 256, 512>}, {pipeline_mode = #tpu.pipeline_mode<synchronous>, transform_indices = @transform_5, window_bounds = array<i64: 1, 256>}, {pipeline_mode = #tpu.pipeline_mode<synchronous>, transform_indices = @transform_6, window_bounds = array<i64: 1, 256>}, {pipeline_mode = #tpu.pipeline_mode<synchronous>, transform_indices = @transform_7, window_bounds = array<i64: 1, 256>}, {transform_indices = @transform_8, window_bounds = array<i64: 4, 256, 256>}, {transform_indices = @transform_9, window_bounds = array<i64: 4, 256, 512>}, {transform_indices = @transform_10, window_bounds = array<i64: 4, 256>}, {transform_indices = @transform_11, window_bounds = array<i64: 1024, 5>}]} {
    %get3A = arith.constant 0 : index
    %get3A_0 = arith.constant 0 : index
    %get3A_1 = arith.constant 0 : index
    %get3A_2 = vector.load %arg9[%get3A, %get3A_0, %get3A_1] : memref<4x256x256xf32, #tpu.memory_space<vmem>>, vector<4x256x256xf32>
    %reshape3A = vector.shape_cast %get3A_2 : vector<4x256x256xf32> to vector<1024x256xf32>
    %get3A_3 = arith.constant 0 : index
    %get3A_4 = arith.constant 0 : index
    %get3A_5 = arith.constant 0 : index
    %get3A_6 = vector.load %arg10[%get3A_3, %get3A_4, %get3A_5] : memref<4x256x512xf32, #tpu.memory_space<vmem>>, vector<4x256x512xf32>
    %reshape3A_7 = vector.shape_cast %get3A_6 : vector<4x256x512xf32> to vector<1024x512xf32>
    %slice3A = vector.extract_strided_slice %reshape3A_7 {offsets = [0, 0], sizes = [1024, 256], strides = [1, 1]} : vector<1024x512xf32> to vector<1024x256xf32>
    %slice3A_8 = vector.extract_strided_slice %reshape3A_7 {offsets = [0, 256], sizes = [1024, 256], strides = [1, 1]} : vector<1024x512xf32> to vector<1024x256xf32>
    %get3A_9 = arith.constant 0 : index
    %get3A_10 = arith.constant 0 : index
    %get3A_11 = vector.load %arg11[%get3A_9, %get3A_10] : memref<4x256xf32, #tpu.memory_space<vmem>>, vector<4x256xf32>
    %reshape3A_12 = vector.shape_cast %get3A_11 : vector<4x256xf32> to vector<1x1024xf32>
    %get3A_13 = arith.constant 0 : index
    %get3A_14 = arith.constant 0 : index
    %get3A_15 = vector.load %arg2[%get3A_13, %get3A_14] : memref<16x128xf32, #tpu.memory_space<vmem>>, vector<16x128xf32>
    %reshape3A_16 = vector.shape_cast %get3A_15 : vector<16x128xf32> to vector<8x256xf32>
    %get3A_17 = arith.constant 0 : index
    %get3A_18 = arith.constant 0 : index
    %get3A_19 = vector.load %arg3[%get3A_17, %get3A_18] : memref<512x256xf32, #tpu.memory_space<vmem>>, vector<512x256xf32>
    %dot_general3A = arith.constant dense<0.000000e+00> : vector<8x512xf32>
    %dot_general3A_20 = tpu.matmul %reshape3A_16, %get3A_19, %dot_general3A {dimension_numbers = #tpu.dot_dimension_numbers<[1], [1], [0], [0], [0, 0, 1, 0], [], []>, transpose_lhs_hint = false} : vector<8x256xf32>, vector<512x256xf32>, vector<8x512xf32> -> vector<8x512xf32>
    %get3A_21 = arith.constant 0 : index
    %get3A_22 = arith.constant 0 : index
    %get3A_23 = vector.load %arg4[%get3A_21, %get3A_22] : memref<1x512xf32, #tpu.memory_space<vmem>>, vector<1x512xf32>
    %add3A = vector.broadcast %get3A_23 : vector<1x512xf32> to vector<8x512xf32>
    %add3A_24 = arith.addf %dot_general3A_20, %add3A : vector<8x512xf32>
    %max3A = arith.constant 0.000000e+00 : f32
    %max3A_25 = vector.broadcast %max3A : f32 to vector<8x512xf32>
    %max3A_26 = arith.maximumf %add3A_24, %max3A_25 : vector<8x512xf32>
    %get3A_27 = arith.constant 0 : index
    %get3A_28 = arith.constant 0 : index
    %get3A_29 = vector.load %arg5[%get3A_27, %get3A_28] : memref<256x512xf32, #tpu.memory_space<vmem>>, vector<256x512xf32>
    %dot_general3A_30 = arith.constant dense<0.000000e+00> : vector<8x256xf32>
    %dot_general3A_31 = tpu.matmul %max3A_26, %get3A_29, %dot_general3A_30 {dimension_numbers = #tpu.dot_dimension_numbers<[1], [1], [0], [0], [0, 0, 1, 0], [], []>, transpose_lhs_hint = false} : vector<8x512xf32>, vector<256x512xf32>, vector<8x256xf32> -> vector<8x256xf32>
    %get3A_32 = arith.constant 0 : index
    %get3A_33 = arith.constant 0 : index
    %get3A_34 = vector.load %arg6[%get3A_32, %get3A_33] : memref<1x256xf32, #tpu.memory_space<vmem>>, vector<1x256xf32>
    %add3A_35 = vector.broadcast %get3A_34 : vector<1x256xf32> to vector<8x256xf32>
    %add3A_36 = arith.addf %dot_general3A_31, %add3A_35 : vector<8x256xf32>
    %add3A_37 = arith.addf %add3A_36, %reshape3A_16 : vector<8x256xf32>
    %reduce_sum3A = arith.constant dense<0.000000e+00> : vector<8xf32>
    %reduce_sum3A_38 = vector.multi_reduction <add>, %add3A_37, %reduce_sum3A [1] : vector<8x256xf32> to vector<8xf32>
    %broadcast_in_dim3A = vector.shape_cast %reduce_sum3A_38 : vector<8xf32> to vector<8x1xf32>
    %div3A = arith.constant 2.560000e+02 : f32
    %div3A_39 = vector.broadcast %div3A : f32 to vector<8x1xf32>
    %div3A_40 = arith.divf %broadcast_in_dim3A, %div3A_39 : vector<8x1xf32>
    %sub3A = vector.broadcast %div3A_40 : vector<8x1xf32> to vector<8x256xf32>
    %sub3A_41 = arith.subf %add3A_37, %sub3A : vector<8x256xf32>
    %integer_pow3A = arith.mulf %sub3A_41, %sub3A_41 : vector<8x256xf32>
    %reduce_sum3A_42 = arith.constant dense<0.000000e+00> : vector<8xf32>
    %reduce_sum3A_43 = vector.multi_reduction <add>, %integer_pow3A, %reduce_sum3A_42 [1] : vector<8x256xf32> to vector<8xf32>
    %broadcast_in_dim3A_44 = vector.shape_cast %reduce_sum3A_43 : vector<8xf32> to vector<8x1xf32>
    %div3A_45 = arith.constant 2.550000e+02 : f32
    %div3A_46 = vector.broadcast %div3A_45 : f32 to vector<8x1xf32>
    %div3A_47 = arith.divf %broadcast_in_dim3A_44, %div3A_46 : vector<8x1xf32>
    %sub3A_48 = vector.broadcast %div3A_40 : vector<8x1xf32> to vector<8x256xf32>
    %sub3A_49 = arith.subf %add3A_37, %sub3A_48 : vector<8x256xf32>
    %sqrt3A = math.sqrt %div3A_47 : vector<8x1xf32>
    %add3A_50 = arith.constant 9.99999997E-7 : f32
    %add3A_51 = vector.broadcast %add3A_50 : f32 to vector<8x1xf32>
    %add3A_52 = arith.addf %sqrt3A, %add3A_51 : vector<8x1xf32>
    %div3A_53 = vector.broadcast %add3A_52 : vector<8x1xf32> to vector<8x256xf32>
    %div3A_54 = arith.divf %sub3A_49, %div3A_53 : vector<8x256xf32>
    %get3A_55 = arith.constant 0 : index
    %get3A_56 = arith.constant 0 : index
    %get3A_57 = vector.load %arg7[%get3A_55, %get3A_56] : memref<1x256xf32, #tpu.memory_space<vmem>>, vector<1x256xf32>
    %mul3A = vector.broadcast %get3A_57 : vector<1x256xf32> to vector<8x256xf32>
    %mul3A_58 = arith.mulf %div3A_54, %mul3A : vector<8x256xf32>
    %get3A_59 = arith.constant 0 : index
    %get3A_60 = arith.constant 0 : index
    %get3A_61 = vector.load %arg8[%get3A_59, %get3A_60] : memref<1x256xf32, #tpu.memory_space<vmem>>, vector<1x256xf32>
    %add3A_62 = vector.broadcast %get3A_61 : vector<1x256xf32> to vector<8x256xf32>
    %add3A_63 = arith.addf %mul3A_58, %add3A_62 : vector<8x256xf32>
    %iota3A = tpu.iota {dimensions = array<i32: 0>} : vector<8x256xi32>
    %lt3A = arith.constant 5 : i32
    %lt3A_64 = vector.broadcast %lt3A : i32 to vector<8x256xi32>
    %lt3A_65 = arith.cmpi slt, %iota3A, %lt3A_64 : vector<8x256xi32>
    %jit3A = arith.constant 0.000000e+00 : f32
    %broadcast_in_dim3A_66 = vector.broadcast %jit3A : f32 to vector<8x256xf32>
    %select_n3A = arith.select %lt3A_65, %add3A_63, %broadcast_in_dim3A_66 : vector<8x256xi1>, vector<8x256xf32>
    %dot_general3A_67 = arith.constant dense<0.000000e+00> : vector<8x1024xf32>
    %dot_general3A_68 = tpu.matmul %select_n3A, %slice3A_8, %dot_general3A_67 {dimension_numbers = #tpu.dot_dimension_numbers<[1], [1], [0], [0], [0, 0, 1, 0], [], []>, transpose_lhs_hint = false} : vector<8x256xf32>, vector<1024x256xf32>, vector<8x1024xf32> -> vector<8x1024xf32>
    %get3A_69 = arith.constant 0 : index
    %get3A_70 = arith.constant 0 : index
    %get3A_71 = vector.load %arg1[%get3A_69, %get3A_70] : memref<2048x128xf32, #tpu.memory_space<vmem>>, vector<2048x128xf32>
    %reshape3A_72 = vector.shape_cast %get3A_71 : vector<2048x128xf32> to vector<1024x256xf32>
    %dot_general3A_73 = arith.constant dense<0.000000e+00> : vector<1024x1024xf32>
    %dot_general3A_74 = tpu.matmul %reshape3A_72, %reshape3A, %dot_general3A_73 {dimension_numbers = #tpu.dot_dimension_numbers<[1], [1], [0], [0], [0, 0, 1, 0], [], []>, transpose_lhs_hint = false} : vector<1024x256xf32>, vector<1024x256xf32>, vector<1024x1024xf32> -> vector<1024x1024xf32>
    %add3A_75 = vector.broadcast %reshape3A_12 : vector<1x1024xf32> to vector<1024x1024xf32>
    %add3A_76 = arith.addf %dot_general3A_74, %add3A_75 : vector<1024x1024xf32>
    %iota3A_77 = tpu.iota {dimensions = array<i32: 1>} : vector<1024x8xi32>
    %lt3A_78 = arith.constant 5 : i32
    %lt3A_79 = vector.broadcast %lt3A_78 : i32 to vector<1024x8xi32>
    %lt3A_80 = arith.cmpi slt, %iota3A_77, %lt3A_79 : vector<1024x8xi32>
    %jit3A_81 = arith.constant 0.000000e+00 : f32
    %jit3A_82 = arith.constant -1.000000e+30 : f32
    %broadcast_in_dim3A_83 = vector.broadcast %jit3A_81 : f32 to vector<1024x8xf32>
    %broadcast_in_dim3A_84 = vector.broadcast %jit3A_82 : f32 to vector<1024x8xf32>
    %select_n3A_85 = arith.select %lt3A_80, %broadcast_in_dim3A_83, %broadcast_in_dim3A_84 : vector<1024x8xi1>, vector<1024x8xf32>
    %broadcast_in_dim3A_86 = arith.constant 0.000000e+00 : f32
    %broadcast_in_dim3A_87 = vector.broadcast %broadcast_in_dim3A_86 : f32 to vector<1024x256xf32>
    %slice3A_88 = vector.extract_strided_slice %add3A_76 {offsets = [0, 0], sizes = [1024, 256], strides = [1, 1]} : vector<1024x1024xf32> to vector<1024x256xf32>
    %logistic3A = arith.negf %slice3A_88 : vector<1024x256xf32>
    %logistic3A_89 = math.exp %logistic3A : vector<1024x256xf32>
    %logistic3A_90 = arith.constant 1.000000e+00 : f32
    %logistic3A_91 = vector.broadcast %logistic3A_90 : f32 to vector<1024x256xf32>
    %logistic3A_92 = arith.addf %logistic3A_91, %logistic3A_89 : vector<1024x256xf32>
    %logistic3A_93 = arith.divf %logistic3A_91, %logistic3A_92 : vector<1024x256xf32>
    %slice3A_94 = vector.extract_strided_slice %add3A_76 {offsets = [0, 256], sizes = [1024, 256], strides = [1, 1]} : vector<1024x1024xf32> to vector<1024x256xf32>
    %logistic3A_95 = arith.negf %slice3A_94 : vector<1024x256xf32>
    %logistic3A_96 = math.exp %logistic3A_95 : vector<1024x256xf32>
    %logistic3A_97 = arith.constant 1.000000e+00 : f32
    %logistic3A_98 = vector.broadcast %logistic3A_97 : f32 to vector<1024x256xf32>
    %logistic3A_99 = arith.addf %logistic3A_98, %logistic3A_96 : vector<1024x256xf32>
    %logistic3A_100 = arith.divf %logistic3A_98, %logistic3A_99 : vector<1024x256xf32>
    %slice3A_101 = vector.extract_strided_slice %add3A_76 {offsets = [0, 512], sizes = [1024, 256], strides = [1, 1]} : vector<1024x1024xf32> to vector<1024x256xf32>
    %tanh3A = math.tanh %slice3A_101 : vector<1024x256xf32>
    %slice3A_102 = vector.extract_strided_slice %add3A_76 {offsets = [0, 768], sizes = [1024, 256], strides = [1, 1]} : vector<1024x1024xf32> to vector<1024x256xf32>
    %logistic3A_103 = arith.negf %slice3A_102 : vector<1024x256xf32>
    %logistic3A_104 = math.exp %logistic3A_103 : vector<1024x256xf32>
    %logistic3A_105 = arith.constant 1.000000e+00 : f32
    %logistic3A_106 = vector.broadcast %logistic3A_105 : f32 to vector<1024x256xf32>
    %logistic3A_107 = arith.addf %logistic3A_106, %logistic3A_104 : vector<1024x256xf32>
    %logistic3A_108 = arith.divf %logistic3A_106, %logistic3A_107 : vector<1024x256xf32>
    %mul3A_109 = arith.mulf %logistic3A_100, %broadcast_in_dim3A_87 : vector<1024x256xf32>
    %mul3A_110 = arith.mulf %logistic3A_93, %tanh3A : vector<1024x256xf32>
    %add3A_111 = arith.addf %mul3A_109, %mul3A_110 : vector<1024x256xf32>
    %tanh3A_112 = math.tanh %add3A_111 : vector<1024x256xf32>
    %mul3A_113 = arith.mulf %logistic3A_108, %tanh3A_112 : vector<1024x256xf32>
    %add3A_114 = arith.addf %reshape3A_72, %mul3A_113 : vector<1024x256xf32>
    %dot_general3A_115 = arith.constant dense<0.000000e+00> : vector<1024x8xf32>
    %dot_general3A_116 = tpu.matmul %add3A_114, %select_n3A, %dot_general3A_115 {dimension_numbers = #tpu.dot_dimension_numbers<[1], [1], [0], [0], [0, 0, 1, 0], [], []>, transpose_lhs_hint = false} : vector<1024x256xf32>, vector<8x256xf32>, vector<1024x8xf32> -> vector<1024x8xf32>
    %add3A_117 = arith.addf %dot_general3A_116, %select_n3A_85 : vector<1024x8xf32>
    %reduce_max3A = arith.constant dense<0xFF800000> : vector<1024xf32>
    %reduce_max3A_118 = vector.multi_reduction <maximumf>, %add3A_117, %reduce_max3A [1] : vector<1024x8xf32> to vector<1024xf32>
    %max3A_119 = arith.constant 0xFF800000 : f32
    %max3A_120 = vector.broadcast %max3A_119 : f32 to vector<1024xf32>
    %max3A_121 = arith.maximumf %max3A_120, %reduce_max3A_118 : vector<1024xf32>
    %broadcast_in_dim3A_122 = vector.shape_cast %max3A_121 : vector<1024xf32> to vector<1024x1xf32>
    %sub3A_123 = vector.broadcast %broadcast_in_dim3A_122 : vector<1024x1xf32> to vector<1024x8xf32>
    %sub3A_124 = arith.subf %add3A_117, %sub3A_123 : vector<1024x8xf32>
    %exp3A = math.exp %sub3A_124 : vector<1024x8xf32>
    %reduce_sum3A_125 = arith.constant dense<0.000000e+00> : vector<1024xf32>
    %reduce_sum3A_126 = vector.multi_reduction <add>, %exp3A, %reduce_sum3A_125 [1] : vector<1024x8xf32> to vector<1024xf32>
    %broadcast_in_dim3A_127 = vector.shape_cast %reduce_sum3A_126 : vector<1024xf32> to vector<1024x1xf32>
    %div3A_128 = vector.broadcast %broadcast_in_dim3A_127 : vector<1024x1xf32> to vector<1024x8xf32>
    %div3A_129 = arith.divf %exp3A, %div3A_128 : vector<1024x8xf32>
    %dot_general3A_130 = arith.constant dense<0.000000e+00> : vector<1024x1024xf32>
    %dot_general3A_131 = tpu.matmul %add3A_114, %slice3A, %dot_general3A_130 {dimension_numbers = #tpu.dot_dimension_numbers<[1], [1], [0], [0], [0, 0, 1, 0], [], []>, transpose_lhs_hint = false} : vector<1024x256xf32>, vector<1024x256xf32>, vector<1024x1024xf32> -> vector<1024x1024xf32>
    %add3A_132 = arith.addf %add3A_76, %dot_general3A_131 : vector<1024x1024xf32>
    %dot_general3A_133 = arith.constant dense<0.000000e+00> : vector<1024x1024xf32>
    %dot_general3A_134 = tpu.matmul %div3A_129, %dot_general3A_68, %dot_general3A_133 {dimension_numbers = #tpu.dot_dimension_numbers<[1], [0], [0], [1], [0, 0, 1, 1], [], []>, transpose_lhs_hint = false} : vector<1024x8xf32>, vector<8x1024xf32>, vector<1024x1024xf32> -> vector<1024x1024xf32>
    %add3A_135 = arith.addf %add3A_132, %dot_general3A_134 : vector<1024x1024xf32>
    %slice3A_136 = vector.extract_strided_slice %add3A_135 {offsets = [0, 0], sizes = [1024, 256], strides = [1, 1]} : vector<1024x1024xf32> to vector<1024x256xf32>
    %logistic3A_137 = arith.negf %slice3A_136 : vector<1024x256xf32>
    %logistic3A_138 = math.exp %logistic3A_137 : vector<1024x256xf32>
    %logistic3A_139 = arith.constant 1.000000e+00 : f32
    %logistic3A_140 = vector.broadcast %logistic3A_139 : f32 to vector<1024x256xf32>
    %logistic3A_141 = arith.addf %logistic3A_140, %logistic3A_138 : vector<1024x256xf32>
    %logistic3A_142 = arith.divf %logistic3A_140, %logistic3A_141 : vector<1024x256xf32>
    %slice3A_143 = vector.extract_strided_slice %add3A_135 {offsets = [0, 256], sizes = [1024, 256], strides = [1, 1]} : vector<1024x1024xf32> to vector<1024x256xf32>
    %logistic3A_144 = arith.negf %slice3A_143 : vector<1024x256xf32>
    %logistic3A_145 = math.exp %logistic3A_144 : vector<1024x256xf32>
    %logistic3A_146 = arith.constant 1.000000e+00 : f32
    %logistic3A_147 = vector.broadcast %logistic3A_146 : f32 to vector<1024x256xf32>
    %logistic3A_148 = arith.addf %logistic3A_147, %logistic3A_145 : vector<1024x256xf32>
    %logistic3A_149 = arith.divf %logistic3A_147, %logistic3A_148 : vector<1024x256xf32>
    %slice3A_150 = vector.extract_strided_slice %add3A_135 {offsets = [0, 512], sizes = [1024, 256], strides = [1, 1]} : vector<1024x1024xf32> to vector<1024x256xf32>
    %tanh3A_151 = math.tanh %slice3A_150 : vector<1024x256xf32>
    %slice3A_152 = vector.extract_strided_slice %add3A_135 {offsets = [0, 768], sizes = [1024, 256], strides = [1, 1]} : vector<1024x1024xf32> to vector<1024x256xf32>
    %logistic3A_153 = arith.negf %slice3A_152 : vector<1024x256xf32>
    %logistic3A_154 = math.exp %logistic3A_153 : vector<1024x256xf32>
    %logistic3A_155 = arith.constant 1.000000e+00 : f32
    %logistic3A_156 = vector.broadcast %logistic3A_155 : f32 to vector<1024x256xf32>
    %logistic3A_157 = arith.addf %logistic3A_156, %logistic3A_154 : vector<1024x256xf32>
    %logistic3A_158 = arith.divf %logistic3A_156, %logistic3A_157 : vector<1024x256xf32>
    %mul3A_159 = arith.mulf %logistic3A_149, %add3A_111 : vector<1024x256xf32>
    %mul3A_160 = arith.mulf %logistic3A_142, %tanh3A_151 : vector<1024x256xf32>
    %add3A_161 = arith.addf %mul3A_159, %mul3A_160 : vector<1024x256xf32>
    %tanh3A_162 = math.tanh %add3A_161 : vector<1024x256xf32>
    %mul3A_163 = arith.mulf %logistic3A_158, %tanh3A_162 : vector<1024x256xf32>
    %add3A_164 = arith.addf %reshape3A_72, %mul3A_163 : vector<1024x256xf32>
    %dot_general3A_165 = arith.constant dense<0.000000e+00> : vector<1024x8xf32>
    %dot_general3A_166 = tpu.matmul %add3A_164, %select_n3A, %dot_general3A_165 {dimension_numbers = #tpu.dot_dimension_numbers<[1], [1], [0], [0], [0, 0, 1, 0], [], []>, transpose_lhs_hint = false} : vector<1024x256xf32>, vector<8x256xf32>, vector<1024x8xf32> -> vector<1024x8xf32>
    %add3A_167 = arith.addf %dot_general3A_166, %select_n3A_85 : vector<1024x8xf32>
    %reduce_max3A_168 = arith.constant dense<0xFF800000> : vector<1024xf32>
    %reduce_max3A_169 = vector.multi_reduction <maximumf>, %add3A_167, %reduce_max3A_168 [1] : vector<1024x8xf32> to vector<1024xf32>
    %max3A_170 = arith.constant 0xFF800000 : f32
    %max3A_171 = vector.broadcast %max3A_170 : f32 to vector<1024xf32>
    %max3A_172 = arith.maximumf %max3A_171, %reduce_max3A_169 : vector<1024xf32>
    %broadcast_in_dim3A_173 = vector.shape_cast %max3A_172 : vector<1024xf32> to vector<1024x1xf32>
    %sub3A_174 = vector.broadcast %broadcast_in_dim3A_173 : vector<1024x1xf32> to vector<1024x8xf32>
    %sub3A_175 = arith.subf %add3A_167, %sub3A_174 : vector<1024x8xf32>
    %exp3A_176 = math.exp %sub3A_175 : vector<1024x8xf32>
    %reduce_sum3A_177 = arith.constant dense<0.000000e+00> : vector<1024xf32>
    %reduce_sum3A_178 = vector.multi_reduction <add>, %exp3A_176, %reduce_sum3A_177 [1] : vector<1024x8xf32> to vector<1024xf32>
    %broadcast_in_dim3A_179 = vector.shape_cast %reduce_sum3A_178 : vector<1024xf32> to vector<1024x1xf32>
    %div3A_180 = vector.broadcast %broadcast_in_dim3A_179 : vector<1024x1xf32> to vector<1024x8xf32>
    %div3A_181 = arith.divf %exp3A_176, %div3A_180 : vector<1024x8xf32>
    %dot_general3A_182 = arith.constant dense<0.000000e+00> : vector<1024x1024xf32>
    %dot_general3A_183 = tpu.matmul %add3A_164, %slice3A, %dot_general3A_182 {dimension_numbers = #tpu.dot_dimension_numbers<[1], [1], [0], [0], [0, 0, 1, 0], [], []>, transpose_lhs_hint = false} : vector<1024x256xf32>, vector<1024x256xf32>, vector<1024x1024xf32> -> vector<1024x1024xf32>
    %add3A_184 = arith.addf %add3A_76, %dot_general3A_183 : vector<1024x1024xf32>
    %dot_general3A_185 = arith.constant dense<0.000000e+00> : vector<1024x1024xf32>
    %dot_general3A_186 = tpu.matmul %div3A_181, %dot_general3A_68, %dot_general3A_185 {dimension_numbers = #tpu.dot_dimension_numbers<[1], [0], [0], [1], [0, 0, 1, 1], [], []>, transpose_lhs_hint = false} : vector<1024x8xf32>, vector<8x1024xf32>, vector<1024x1024xf32> -> vector<1024x1024xf32>
    %add3A_187 = arith.addf %add3A_184, %dot_general3A_186 : vector<1024x1024xf32>
    %slice3A_188 = vector.extract_strided_slice %add3A_187 {offsets = [0, 0], sizes = [1024, 256], strides = [1, 1]} : vector<1024x1024xf32> to vector<1024x256xf32>
    %logistic3A_189 = arith.negf %slice3A_188 : vector<1024x256xf32>
    %logistic3A_190 = math.exp %logistic3A_189 : vector<1024x256xf32>
    %logistic3A_191 = arith.constant 1.000000e+00 : f32
    %logistic3A_192 = vector.broadcast %logistic3A_191 : f32 to vector<1024x256xf32>
    %logistic3A_193 = arith.addf %logistic3A_192, %logistic3A_190 : vector<1024x256xf32>
    %logistic3A_194 = arith.divf %logistic3A_192, %logistic3A_193 : vector<1024x256xf32>
    %slice3A_195 = vector.extract_strided_slice %add3A_187 {offsets = [0, 256], sizes = [1024, 256], strides = [1, 1]} : vector<1024x1024xf32> to vector<1024x256xf32>
    %logistic3A_196 = arith.negf %slice3A_195 : vector<1024x256xf32>
    %logistic3A_197 = math.exp %logistic3A_196 : vector<1024x256xf32>
    %logistic3A_198 = arith.constant 1.000000e+00 : f32
    %logistic3A_199 = vector.broadcast %logistic3A_198 : f32 to vector<1024x256xf32>
    %logistic3A_200 = arith.addf %logistic3A_199, %logistic3A_197 : vector<1024x256xf32>
    %logistic3A_201 = arith.divf %logistic3A_199, %logistic3A_200 : vector<1024x256xf32>
    %slice3A_202 = vector.extract_strided_slice %add3A_187 {offsets = [0, 512], sizes = [1024, 256], strides = [1, 1]} : vector<1024x1024xf32> to vector<1024x256xf32>
    %tanh3A_203 = math.tanh %slice3A_202 : vector<1024x256xf32>
    %slice3A_204 = vector.extract_strided_slice %add3A_187 {offsets = [0, 768], sizes = [1024, 256], strides = [1, 1]} : vector<1024x1024xf32> to vector<1024x256xf32>
    %logistic3A_205 = arith.negf %slice3A_204 : vector<1024x256xf32>
    %logistic3A_206 = math.exp %logistic3A_205 : vector<1024x256xf32>
    %logistic3A_207 = arith.constant 1.000000e+00 : f32
    %logistic3A_208 = vector.broadcast %logistic3A_207 : f32 to vector<1024x256xf32>
    %logistic3A_209 = arith.addf %logistic3A_208, %logistic3A_206 : vector<1024x256xf32>
    %logistic3A_210 = arith.divf %logistic3A_208, %logistic3A_209 : vector<1024x256xf32>
    %mul3A_211 = arith.mulf %logistic3A_201, %add3A_161 : vector<1024x256xf32>
    %mul3A_212 = arith.mulf %logistic3A_194, %tanh3A_203 : vector<1024x256xf32>
    %add3A_213 = arith.addf %mul3A_211, %mul3A_212 : vector<1024x256xf32>
    %tanh3A_214 = math.tanh %add3A_213 : vector<1024x256xf32>
    %mul3A_215 = arith.mulf %logistic3A_210, %tanh3A_214 : vector<1024x256xf32>
    %add3A_216 = arith.addf %reshape3A_72, %mul3A_215 : vector<1024x256xf32>
    %dot_general3A_217 = arith.constant dense<0.000000e+00> : vector<1024x8xf32>
    %dot_general3A_218 = tpu.matmul %add3A_216, %select_n3A, %dot_general3A_217 {dimension_numbers = #tpu.dot_dimension_numbers<[1], [1], [0], [0], [0, 0, 1, 0], [], []>, transpose_lhs_hint = false} : vector<1024x256xf32>, vector<8x256xf32>, vector<1024x8xf32> -> vector<1024x8xf32>
    %add3A_219 = arith.addf %dot_general3A_218, %select_n3A_85 : vector<1024x8xf32>
    %reduce_max3A_220 = arith.constant dense<0xFF800000> : vector<1024xf32>
    %reduce_max3A_221 = vector.multi_reduction <maximumf>, %add3A_219, %reduce_max3A_220 [1] : vector<1024x8xf32> to vector<1024xf32>
    %max3A_222 = arith.constant 0xFF800000 : f32
    %max3A_223 = vector.broadcast %max3A_222 : f32 to vector<1024xf32>
    %max3A_224 = arith.maximumf %max3A_223, %reduce_max3A_221 : vector<1024xf32>
    %broadcast_in_dim3A_225 = vector.shape_cast %max3A_224 : vector<1024xf32> to vector<1024x1xf32>
    %sub3A_226 = vector.broadcast %broadcast_in_dim3A_225 : vector<1024x1xf32> to vector<1024x8xf32>
    %sub3A_227 = arith.subf %add3A_219, %sub3A_226 : vector<1024x8xf32>
    %exp3A_228 = math.exp %sub3A_227 : vector<1024x8xf32>
    %reduce_sum3A_229 = arith.constant dense<0.000000e+00> : vector<1024xf32>
    %reduce_sum3A_230 = vector.multi_reduction <add>, %exp3A_228, %reduce_sum3A_229 [1] : vector<1024x8xf32> to vector<1024xf32>
    %broadcast_in_dim3A_231 = vector.shape_cast %reduce_sum3A_230 : vector<1024xf32> to vector<1024x1xf32>
    %div3A_232 = vector.broadcast %broadcast_in_dim3A_231 : vector<1024x1xf32> to vector<1024x8xf32>
    %div3A_233 = arith.divf %exp3A_228, %div3A_232 : vector<1024x8xf32>
    %dot_general3A_234 = arith.constant dense<0.000000e+00> : vector<1024x1024xf32>
    %dot_general3A_235 = tpu.matmul %add3A_216, %slice3A, %dot_general3A_234 {dimension_numbers = #tpu.dot_dimension_numbers<[1], [1], [0], [0], [0, 0, 1, 0], [], []>, transpose_lhs_hint = false} : vector<1024x256xf32>, vector<1024x256xf32>, vector<1024x1024xf32> -> vector<1024x1024xf32>
    %add3A_236 = arith.addf %add3A_76, %dot_general3A_235 : vector<1024x1024xf32>
    %dot_general3A_237 = arith.constant dense<0.000000e+00> : vector<1024x1024xf32>
    %dot_general3A_238 = tpu.matmul %div3A_233, %dot_general3A_68, %dot_general3A_237 {dimension_numbers = #tpu.dot_dimension_numbers<[1], [0], [0], [1], [0, 0, 1, 1], [], []>, transpose_lhs_hint = false} : vector<1024x8xf32>, vector<8x1024xf32>, vector<1024x1024xf32> -> vector<1024x1024xf32>
    %add3A_239 = arith.addf %add3A_236, %dot_general3A_238 : vector<1024x1024xf32>
    %slice3A_240 = vector.extract_strided_slice %add3A_239 {offsets = [0, 0], sizes = [1024, 256], strides = [1, 1]} : vector<1024x1024xf32> to vector<1024x256xf32>
    %logistic3A_241 = arith.negf %slice3A_240 : vector<1024x256xf32>
    %logistic3A_242 = math.exp %logistic3A_241 : vector<1024x256xf32>
    %logistic3A_243 = arith.constant 1.000000e+00 : f32
    %logistic3A_244 = vector.broadcast %logistic3A_243 : f32 to vector<1024x256xf32>
    %logistic3A_245 = arith.addf %logistic3A_244, %logistic3A_242 : vector<1024x256xf32>
    %logistic3A_246 = arith.divf %logistic3A_244, %logistic3A_245 : vector<1024x256xf32>
    %slice3A_247 = vector.extract_strided_slice %add3A_239 {offsets = [0, 256], sizes = [1024, 256], strides = [1, 1]} : vector<1024x1024xf32> to vector<1024x256xf32>
    %logistic3A_248 = arith.negf %slice3A_247 : vector<1024x256xf32>
    %logistic3A_249 = math.exp %logistic3A_248 : vector<1024x256xf32>
    %logistic3A_250 = arith.constant 1.000000e+00 : f32
    %logistic3A_251 = vector.broadcast %logistic3A_250 : f32 to vector<1024x256xf32>
    %logistic3A_252 = arith.addf %logistic3A_251, %logistic3A_249 : vector<1024x256xf32>
    %logistic3A_253 = arith.divf %logistic3A_251, %logistic3A_252 : vector<1024x256xf32>
    %slice3A_254 = vector.extract_strided_slice %add3A_239 {offsets = [0, 512], sizes = [1024, 256], strides = [1, 1]} : vector<1024x1024xf32> to vector<1024x256xf32>
    %tanh3A_255 = math.tanh %slice3A_254 : vector<1024x256xf32>
    %slice3A_256 = vector.extract_strided_slice %add3A_239 {offsets = [0, 768], sizes = [1024, 256], strides = [1, 1]} : vector<1024x1024xf32> to vector<1024x256xf32>
    %logistic3A_257 = arith.negf %slice3A_256 : vector<1024x256xf32>
    %logistic3A_258 = math.exp %logistic3A_257 : vector<1024x256xf32>
    %logistic3A_259 = arith.constant 1.000000e+00 : f32
    %logistic3A_260 = vector.broadcast %logistic3A_259 : f32 to vector<1024x256xf32>
    %logistic3A_261 = arith.addf %logistic3A_260, %logistic3A_258 : vector<1024x256xf32>
    %logistic3A_262 = arith.divf %logistic3A_260, %logistic3A_261 : vector<1024x256xf32>
    %mul3A_263 = arith.mulf %logistic3A_253, %add3A_213 : vector<1024x256xf32>
    %mul3A_264 = arith.mulf %logistic3A_246, %tanh3A_255 : vector<1024x256xf32>
    %add3A_265 = arith.addf %mul3A_263, %mul3A_264 : vector<1024x256xf32>
    %tanh3A_266 = math.tanh %add3A_265 : vector<1024x256xf32>
    %mul3A_267 = arith.mulf %logistic3A_262, %tanh3A_266 : vector<1024x256xf32>
    %add3A_268 = arith.addf %reshape3A_72, %mul3A_267 : vector<1024x256xf32>
    %dot_general3A_269 = arith.constant dense<0.000000e+00> : vector<1024x8xf32>
    %dot_general3A_270 = tpu.matmul %add3A_268, %select_n3A, %dot_general3A_269 {dimension_numbers = #tpu.dot_dimension_numbers<[1], [1], [0], [0], [0, 0, 1, 0], [], []>, transpose_lhs_hint = false} : vector<1024x256xf32>, vector<8x256xf32>, vector<1024x8xf32> -> vector<1024x8xf32>
    %slice3A_271 = vector.extract_strided_slice %dot_general3A_270 {offsets = [0, 0], sizes = [1024, 5], strides = [1, 1]} : vector<1024x8xf32> to vector<1024x5xf32>
    %swap3A = arith.constant 0 : index
    %swap3A_272 = arith.constant 0 : index
    %swap3A_273 = vector.load %arg12[%swap3A, %swap3A_272] : memref<1024x5xf32, #tpu.memory_space<vmem>>, vector<1024x5xf32>
    tpu.vector_store %arg12[%swap3A, %swap3A_272], %slice3A_271 {strides = array<i32>} : memref<1024x5xf32, #tpu.memory_space<vmem>>, vector<1024x5xf32>,
    return
  }
  func.func @transform_0(%arg0: i32) -> (i32, i32) {
    %c0_i32 = arith.constant 0 : i32
    %c0_i32_0 = arith.constant 0 : i32
    return %arg0, %c0_i32 : i32, i32
  }
  func.func @transform_1(%arg0: i32) -> (i32, i32) {
    %c512_i32 = arith.constant 512 : i32
    %c0_i32 = arith.constant 0 : i32
    %c0_i32_0 = arith.constant 0 : i32
    return %c512_i32, %c0_i32 : i32, i32
  }
  func.func @transform_2(%arg0: i32) -> (i32, i32) {
    %c0_i32 = arith.constant 0 : i32
    %c0_i32_0 = arith.constant 0 : i32
    %c0_i32_1 = arith.constant 0 : i32
    return %c0_i32, %c0_i32_0 : i32, i32
  }
  func.func @transform_3(%arg0: i32) -> (i32, i32) {
    %c0_i32 = arith.constant 0 : i32
    %c0_i32_0 = arith.constant 0 : i32
    %c0_i32_1 = arith.constant 0 : i32
    return %c0_i32, %c0_i32_0 : i32, i32
  }
  func.func @transform_4(%arg0: i32) -> (i32, i32) {
    %c0_i32 = arith.constant 0 : i32
    %c0_i32_0 = arith.constant 0 : i32
    %c0_i32_1 = arith.constant 0 : i32
    return %c0_i32, %c0_i32_0 : i32, i32
  }
  func.func @transform_5(%arg0: i32) -> (i32, i32) {
    %c0_i32 = arith.constant 0 : i32
    %c0_i32_0 = arith.constant 0 : i32
    %c0_i32_1 = arith.constant 0 : i32
    return %c0_i32, %c0_i32_0 : i32, i32
  }
  func.func @transform_6(%arg0: i32) -> (i32, i32) {
    %c0_i32 = arith.constant 0 : i32
    %c0_i32_0 = arith.constant 0 : i32
    %c0_i32_1 = arith.constant 0 : i32
    return %c0_i32, %c0_i32_0 : i32, i32
  }
  func.func @transform_7(%arg0: i32) -> (i32, i32) {
    %c0_i32 = arith.constant 0 : i32
    %c0_i32_0 = arith.constant 0 : i32
    %c0_i32_1 = arith.constant 0 : i32
    return %c0_i32, %c0_i32_0 : i32, i32
  }
  func.func @transform_8(%arg0: i32) -> (i32, i32, i32) {
    %c0_i32 = arith.constant 0 : i32
    %c0_i32_0 = arith.constant 0 : i32
    %c0_i32_1 = arith.constant 0 : i32
    %c0_i32_2 = arith.constant 0 : i32
    return %c0_i32, %c0_i32_0, %c0_i32_1 : i32, i32, i32
  }
  func.func @transform_9(%arg0: i32) -> (i32, i32, i32) {
    %c0_i32 = arith.constant 0 : i32
    %c0_i32_0 = arith.constant 0 : i32
    %c0_i32_1 = arith.constant 0 : i32
    %c0_i32_2 = arith.constant 0 : i32
    return %c0_i32, %c0_i32_0, %c0_i32_1 : i32, i32, i32
  }
  func.func @transform_10(%arg0: i32) -> (i32, i32) {
    %c0_i32 = arith.constant 0 : i32
    %c0_i32_0 = arith.constant 0 : i32
    %c0_i32_1 = arith.constant 0 : i32
    return %c0_i32, %c0_i32_0 : i32, i32
  }
  func.func @transform_11(%arg0: i32) -> (i32, i32) {
    %c0_i32 = arith.constant 0 : i32
    %c0_i32_0 = arith.constant 0 : i32
    return %arg0, %c0_i32 : i32, i32
  }
}

</mosaic_0001>

<sc_bundles>
// kernel: kernel.4.cloned.1.call-start
scs
__scs_entry_jumppad:
0x0: {  	(pc) =	sbr.rel $0x88, $3  }
0x1: {  	(tag) =	ssettag $0x0;
	lr =	simm.s32 $0x1  }
0x2: {  	[smem:$0x3F94] =	sst lr;
	_ =	strace $0xD0000000  }
0x3: {  	_ = 	snop  }
0x4: {  	_ = 	snop  }
0x5: {  	_ = 	snop  }
0x6: {  	_ = 	snop  }
0x7: {  	_ = 	snop  }
__scs_overlays_trampoline_lowered:
0x8: {  	[smem:$0x3FA3] =	sst s0  }
0x9: {  	[smem:$0x3FA4] =	sst s1  }
0xa: {  	[smem:$0x3FA5] =	sst s2  }
0xb: {  	[smem:$0x3FA6] =	sst s3  }
0xc: {  	[smem:$0x3FA7] =	sst s4  }
0xd: {  	[smem:$0x3FA8] =	sst s5  }
0xe: {  	[smem:$0x3FA9] =	sst s6  }
0xf: {  	[smem:$0x3FAA] =	sst s7  }
0x10: {  	[smem:$0x3FAB] =	sst s8  }
0x11: {  	[smem:$0x3FAC] =	sst s9;
	s0 =	simm.s32 @!p0 $0x0  }
0x12: {  	s1 =	sld [smem:$0x3F92];
	s0 =	simm.s32 @p0 $0x1  }
0x13: {  	[smem:$0x3FAD] =	sst s0;
	s0 =	simm.s32 @!p1 $0x0  }
0x14: {  	s2 =	sld [smem:$0x3F91];
	s0 =	simm.s32 @p1 $0x1  }
0x15: {  	[smem:$0x3FAE] =	sst s0;
	s0 =	simm.s32 @!p2 $0x0  }
0x16: {  	s3 =	sld [smem:$0x3FDB];
	s0 =	simm.s32 @p2 $0x1  }
0x17: {  	s4 =	simm.s32 $0x1BF5;
	[smem:$0x3FB0] =	sst s0  }
0x18: {  	s0 =	sld [smem:$0x3F93];
	_ =	swait.ge [sflag:s4], $0x0  }
0x19: {  	s7 =	sld [smem:$0x3F94]  }
0x1a: {  	s8 =	sadd.s32 $0xFFFFE003, lr  }
0x1b: {  	s9 =	sadd.s32 $0xFFFFFEF7, lr;
	s5 =	simm.s32 $0xFFFFFFFF;
	p2 =	slt.u32 s8, $0xFFFFF086  }
0x1c: {  	p1 =	slt.u32 s9, $0xF7A;
	s5 =	simm.s32 @!p2 $0x0  }
0x1d: {  	s5 =	simm.s32 @p1 $0x1;
	p0 =	seq.s32 s7, s2  }
0x1e: {  	s7 =	smul.u32 @!p0 $0xF7A, s2;
	p2 =	seq.s32 @!p0 s5, $0x0  }
0x1f: {  	s9 =	smul.u32 $0xF7A, s1;
	s8 =	simm.s32 @!p0 $0x1BF5;
	p2 =	por !p2, p0  }
0x20: {  	[sflag:s8] =	ssyncset.s32 @!p0 $0xFFFFF086;
	s6 =	sadd.s32 @!p0 s3, s7;
	s7 =	simm.s32 @!p0 $0x108  }
0x21: {  	s3 =	sadd.s32 s3, s9;
	s6 =	sadd.s32 @!p0 $0x88, s6;
	s7 =	simm.s32 @p2 $0x1082  }
0x22: {  	[simem:s7], [sflag:s8] =	dma.local @!p0 [hbm:s6], $0xF7A  }
0x23: {  	s9 =	sor.u32 $0xD0000000, s2;
	s6 =	simm.s32 $0x108;
	_ =	swait.ge @!p0 [sflag:s8], $0x0  }
0x24: {  	s3 =	sadd.s32 $0x88, s3;
	s6 =	simm.s32 @!p1 $0x1082;
	[sflag:s4] =	ssyncset.s32 $0xFFFFF086  }
0x25: {  	[simem:s6], [sflag:s4] =	dma.local [hbm:s3], $0xF7A  }
0x26: {  	[smem:$0x3F94] =	sst s1;
	(tag) =	ssettag s2;
	_ =	strace s9  }
0x27: {  	s1 =	sld [smem:$0x3FA4]  }
0x28: {  	s2 =	sld [smem:$0x3FA5]  }
0x29: {  	s4 =	sld [smem:$0x3FA7]  }
0x2a: {  	p0 =	seq.s32 s5, $0x0;
	s5 =	sld [smem:$0x3FA8]  }
0x2b: {  	s6 =	sld [smem:$0x3FA9]  }
0x2c: {  	s7 =	sld [smem:$0x3FAA]  }
0x2d: {  	s3 =	simm.s32 $0x108;
	s8 =	sld [smem:$0x3FAB]  }
0x2e: {  	s3 =	simm.s32 @!p0 $0x1082;
	s9 =	sld [smem:$0x3FAC]  }
0x2f: {  	lr =	sadd.s32 s0, s3;
	s0 =	sld [smem:$0x3FA3]  }
0x30: {  	s3 =	sld [smem:$0x3FA6]  }
0x31: {  	[smem:$0x3FAF] =	sst s10  }
0x32: {  	s10 =	sld [smem:$0x3FAD];
	_ =	sdelay $0x3  }
0x33: {  	p0 =	seq.s32 s10, $0x1;
	s10 =	sld [smem:$0x3FAF];
	_ =	sdelay $0x3  }
0x34: {  	[smem:$0x3FAF] =	sst s10  }
0x35: {  	s10 =	sld [smem:$0x3FAE];
	_ =	sdelay $0x3  }
0x36: {  	p1 =	seq.s32 s10, $0x1;
	s10 =	sld [smem:$0x3FAF];
	_ =	sdelay $0x3  }
0x37: {  	[smem:$0x3FAF] =	sst s10  }
0x38: {  	s10 =	sld [smem:$0x3FB0]  }
0x39: {  	_ = 	snop;
	(pc) =	sbr.ind lr, $3  }
0x3a: {  	_ = 	snop  }
0x3b: {  	_ = 	snop  }
0x3c: {  	p2 =	seq.s32 s10, $0x1;
	s10 =	sld [smem:$0x3FAF]  }
0x3d: {  	_ =	shalt  }
0x3e: {  	_ =	shalt  }
0x3f: {  	_ =	shalt  }
0x40: {  	_ =	shalt  }
0x41: {  	_ =	shalt  }
0x42: {  	_ =	shalt  }
0x43: {  	_ =	shalt  }
0x44: {  	_ =	shalt  }
0x45: {  	_ =	shalt  }
0x46: {  	_ =	shalt  }
0x47: {  	_ =	shalt  }
0x48: {  	_ =	shalt  }
0x49: {  	_ =	shalt  }
0x4a: {  	_ =	shalt  }
0x4b: {  	_ =	shalt  }
0x4c: {  	_ =	shalt  }
0x4d: {  	_ =	shalt  }
0x4e: {  	_ =	shalt  }
0x4f: {  	_ =	shalt  }
0x50: {  	_ =	shalt  }
0x51: {  	_ =	shalt  }
0x52: {  	_ =	shalt  }
0x53: {  	_ =	shalt  }
0x54: {  	_ =	shalt  }
0x55: {  	_ =	shalt  }
0x56: {  	_ =	shalt  }
0x57: {  	_ =	shalt  }
0x58: {  	_ =	shalt  }
0x59: {  	_ =	shalt  }
0x5a: {  	_ =	shalt  }
0x5b: {  	_ =	shalt  }
0x5c: {  	_ =	shalt  }
0x5d: {  	_ =	shalt  }
0x5e: {  	_ =	shalt  }
0x5f: {  	_ =	shalt  }
0x60: {  	_ =	shalt  }
0x61: {  	_ =	shalt  }
0x62: {  	_ =	shalt  }
0x63: {  	_ =	shalt  }
0x64: {  	_ =	shalt  }
0x65: {  	_ =	shalt  }
0x66: {  	_ =	shalt  }
0x67: {  	_ =	shalt  }
0x68: {  	_ =	shalt  }
0x69: {  	_ =	shalt  }
0x6a: {  	_ =	shalt  }
0x6b: {  	_ =	shalt  }
0x6c: {  	_ =	shalt  }
0x6d: {  	_ =	shalt  }
0x6e: {  	_ =	shalt  }
0x6f: {  	_ =	shalt  }
0x70: {  	_ =	shalt  }
0x71: {  	_ =	shalt  }
0x72: {  	_ =	shalt  }
0x73: {  	_ =	shalt  }
0x74: {  	_ =	shalt  }
0x75: {  	_ =	shalt  }
0x76: {  	_ =	shalt  }
0x77: {  	_ =	shalt  }
0x78: {  	_ =	shalt  }
0x79: {  	_ =	shalt  }
0x7a: {  	_ =	shalt  }
0x7b: {  	_ =	shalt  }
0x7c: {  	_ =	shalt  }
0x7d: {  	_ =	shalt  }
0x7e: {  	_ =	shalt  }
0x7f: {  	_ =	shalt  }
0x80: {  	_ =	shalt  }
0x81: {  	_ =	shalt  }
0x82: {  	_ =	shalt  }
0x83: {  	_ =	shalt  }
0x84: {  	_ =	shalt  }
0x85: {  	_ =	shalt  }
0x86: {  	_ =	shalt  }
0x87: {  	_ =	shalt  }
.Lfunc_end0:
.L_simem_size_0:
called_computation_lowered:
.L_overlay_start_0:
0x88: {  	s2 =	sld [smem:$0x3FD9]  }
0x89: {  	s3 =	sld [smem:$0x3FFE];
	_ =	sdelay $0x1  }
0x8a: {  	s1 =	srdreg.scid  }
0x8b: {  	s0 =	sand.u32 $0x1, s1  }
0x8c: {  	s17 =	sshll.u32 s0, $0xA;
	s2 =	sadd.s32 s3, s2  }
0x8d: {  	s2 =	sadd.s32 s2, s17  }
0x8e: {  	[smem:$0x3FBB] =	sst s2  }
0x8f: {  	_ = 	snop  }
0x90: {  	s2 =	sld [smem:$0x3FC7]  }
0x91: {  	s18 =	sld [smem:$0x3FD0];
	(tm) =	ssettm $0x1  }
0x92: {  	s4 =	sld [smem:$0x3FFB];
	_ =	sdelay $0x3  }
0x93: {  	_ =	strace s4  }
0x94: {  	s4 =	sld [smem:$0x3FFC];
	_ =	sdelay $0x3  }
0x95: {  	_ =	strace s4  }
0x96: {  	s4 =	sld [smem:$0x3FFD];
	_ =	sdelay $0x3  }
0x97: {  	_ =	strace s4  }
0x98: {  	_ =	strace $0x8FFFFFFF  }
0x99: {  	s19 =	sld [smem:$0x3FDB];
	_ =	sdelay $0x1  }
0x9a: {  	s5 =	simm.s32 $_scs_section_size  }
0x9b: {  	s6 =	simm.s32 $_size__tile_overlayer_lowered;
	s7 =	simm.s32 $_tile_overlayer_lowered  }
0x9c: {  	s22 =	simm.s32 $0x1BFF;
	s21 =	sshll.u32 s7, $0x1;
	s4 =	sadd.s32 s5, s19  }
0x9d: {  	s8 =	simm.s32 $0x0;
	s20 =	sshll.u32 s6, $0x1;
	s6 =	sadd.s32 s21, s4  }
0x9e: {  	[timem:s8], [sflag:s22] =	dma.local [hbm:s6], s20  }
0x9f: {  	_ =	swait.ge [sflag:s22], s20  }
0xa0: {  	s5 =	ssub.s32 $0x0, s20;
	[sflag:s22] =	ssyncset.done $0x0  }
0xa1: {  	[sflag:s22] =	ssyncadd.s32 s5;
	_ =	sdelay $0x1  }
0xa2: {  	s23 =	simm.s32 $0x1B8B  }
0xa3: {  	_ =	swait.ge [sflag:s23], $0x1  }
0xa4: {  	[sflag:s23] =	ssyncset.done $0x0  }
0xa5: {  	s25 =	simm.s32 $0x1B8E;
	s24 =	sld [smem:$0x3FFE];
	[sflag:s23] =	ssyncadd.s32 $0xFFFFFFFF  }
0xa6: {  	s26 =	simm.s32 $execute0_lowered;
	[smem:$0x3FD2] =	sst s25  }
0xa7: {  	s6 =	sshll.u32 s26, $0x1;
	_ =	strace $0x80000046;
	[dreg:$0x1] =	wrdreg $0xFFFFFFFF  }
0xa8: {  	s28 =	simm.s32 $_size_execute0_lowered;
	s4 =	sadd.s32 s4, s6;
	[dreg:$0x0] =	wrdreg $0x0  }
0xa9: {  	s6 =	sshll.u32 s28, $0x1;
	[dreg:$0x2] =	wrdreg s4  }
0xaa: {  	[dreg:$0x3] =	wrdreg s6  }
0xab: {  	[dreg:$0x4] =	wrdreg $0xC0  }
0xac: {  	_ =	task [dreg:s8], $0x5FFFF  }
0xad: {  	[dreg:$0x1] =	wrdreg $0xFFFFFFFF  }
0xae: {  	[dreg:$0x0] =	wrdreg $0x60  }
0xaf: {  	[dreg:$0x2] =	wrdreg s2  }
0xb0: {  	[dreg:$0x3] =	wrdreg s18  }
0xb1: {  	[dreg:$0x4] =	wrdreg s24  }
0xb2: {  	[dreg:$0x5] =	wrdreg $0x9  }
0xb3: {  	_ =	task.clear_ibuf [dreg:s8], $0x6FFFF;
	_ =	strace $0x90000046  }
0xb4: {  	s29 =	simm.s32 $0x9;
	_ =	strace $0x80000048  }
0xb5: {  	_ =	swait.ge [sflag:s29], $0x1  }
0xb6: {  	[sflag:s29] =	ssyncadd.s32 $0xFFFFFFFF  }
0xb7: {  	_ =	strace $0x90000048  }
0xb8: {  	_ =	sfence  }
0xb9: {  	s30 =	sld [smem:$0x0];
	_ =	sdelay $0x2  }
0xba: {  	s31 =	sshll.u32 s1, $0xD;
	s1 =	sshrl.u32 s1, $0x2  }
0xbb: {  	s3 =	sand.u32 $0x4000, s31;
	s1 =	sadd.s32 s1, s30  }
0xbc: {  	s0 =	sor.u32 s3, s0;
	s1 =	sshll.u32 s1, $0x11  }
0xbd: {  	s0 =	sor.u32 s1, s0  }
0xbe: {  	s0 =	sadd.s32 $0x8F2B, s0  }
0xbf: {  	[sflag:s0] =	ssyncadd.remote.s32 $0x1  }
0xc0: {  	_ =	sfence.sel $0xFFFF  }
0xc1: {  	[dreg:$0x0] =	wrdreg $0xFFFFFFFF;
	(pc) =	sbr.abs _section_cstart, $3  }
0xc2: {  	[dreg:$0x1] =	wrdreg $0xFFFFFFFF  }
0xc3: {  	_ =	task.clear_ibuf [dreg:s8], $0x2FFFF;
	_ =	strace $0x9FFFFFFF  }
0xc4: {  	(tm) =	ssettm $0x7FFFFFFF  }
0xc5: {  	_ =	shalt  }
tec
execute0_lowered:
.L_overlay_start_1:
0x0: {  	(tag) =	ssettag $0x1  }
0x1: {  	s2 =	rddreg [dreg:$0x0]  }
0x2: {  	s4 =	rddreg [dreg:$0x1]  }
0x3: {  	s1 =	srdreg.scid;
	s0 =	stileid.u32  }
0x4: {  	s18 =	rddreg [dreg:$0x2];
	s19 =	sand.u32 $0x1, s1;
	s5 =	sshll.u32 s0, $0x1  }
0x5: {  	s3 =	simm.s32 $0x0;
	s1 =	rddreg [dreg:$0x3];
	s20 =	sor.u32 s19, s5  }
0x6: {  	[smem:$0x7FF] =	sst s3;
	s5 =	sshll.u32 s20, $0x5  }
0x7: {  	_ =	strace $0x80000047;
	s5 =	sadd.s32 s4, s5;
	s4 =	simm.s32 $0x3  }
0x8: {  	[tilespmem:s3], [sflag:$0x3] =	stream.linear.gather [hbm4b:s5+s3], $0x100, $0x38;
	[tilespmem:$0x8980] =	vst v63  }
0x9: {  	_ =	swait.ge [sflag:s4], $0x100  }
0xa: {  	[sflag:s4] =	ssyncset.done $0x0  }
0xb: {  	s6 =	simm.s32 $0x80;
	s7 =	simm.s32 $0x180;
	[sflag:s4] =	ssyncadd.s32 $0xFFFFFF00  }
0xc: {  	[tilespmem:s7], [sflag:$0x1] =	stream.indirect.gather [hbm4b:s2+s6], $0x80, s3, s6, $0xb8;
	[tilespmem:$0x8980] =	vst v63  }
0xd: {  	s9 =	simm.s32 $0x4180;
	s8 =	sadd.s32 $0x1A00, s18;
	p0 =	sne.s32 s20, $0x0  }
0xe: {  	[tilespmem:s9], [sflag:$0x1] =	stream.indirect.gather [hbm4b:s2+s6], $0x80, s6, s6, $0xb8;
	[tilespmem:$0x8980] =	vst v63  }
0xf: {  	s10 =	simm.s32 @!p0 $0x0;
	s11 =	simm.s32 @!p0 $0x100;
	s12 =	simm.s32 @!p0 $0x3  }
0x10: {  	[tilespmem:s11], [sflag:$0x3] =	stream.linear.gather @!p0 [hbm4b:s8+s10], $0x80, $0x38;
	[tilespmem:$0x8980] =	vst v63  }
0x11: {  	_ =	swait.ge @!p0 [sflag:s12], $0x80  }
0x12: {  	s13 =	simm.s32 @!p0 $0x2;
	[sflag:s12] =	ssyncset.done @!p0 $0x0  }
0x13: {  	s14 =	simm.s32 @!p0 $0x10;
	s15 =	simm.s32 @!p0 $0x8180;
	[sflag:s12] =	ssyncadd.s32 @!p0 $0xFFFFFF80  }
0x14: {  	[tilespmem:s15], [sflag:$0x2] =	stream.indirect.gather @!p0 [hbm4b:s2+s14], $0x80, s11, s14, $0xb8;
	[tilespmem:$0x8980] =	vst v63  }
0x15: {  	_ =	swait.ge @!p0 [sflag:s13], $0x800  }
0x16: {  	[sflag:s13] =	ssyncset.done @!p0 $0x0  }
0x17: {  	s16 =	sadd.s32 $0x21C00, s18;
	[sflag:s13] =	ssyncadd.s32 @!p0 $0xFFFFF800  }
0x18: {  	[hbm4b:s16+s10] =	stream.linear.scatter @!p0 [tilespmem:s15], [sflag:$0x2], $0x800, $0x38;
	[tilespmem:$0x8980] =	vst v63  }
0x19: {  	_ =	swait.ge @!p0 [sflag:s13], $0x800  }
0x1a: {  	s19 =	ssub.s32 $0x2, s19;
	[sflag:s13] =	ssyncset.done @!p0 $0x0  }
0x1b: {  	s17 =	simm.s32 $0x1;
	s21 =	sshrl.u32 s19, $0x1;
	[sflag:s13] =	ssyncadd.s32 @!p0 $0xFFFFF800  }
0x1c: {  	s19 =	ssub.s32 s19, s21;
	_ =	swait.ge [sflag:s17], $0x4000  }
0x1d: {  	s19 =	smax.u32 s19, $0x1;
	[sflag:s17] =	ssyncset.done $0x0  }
0x1e: {  	s19 =	sadd.s32 $0xFFFFFFFF, s19;
	[sflag:s17] =	ssyncadd.s32 $0xFFFFC000  }
0x1f: {  	s20 =	sshll.u32 s20, $0xC;
	p1 =	sne.s32 s19, $0x0;
	_ =	swait.ge [sflag:s17], $0x4000  }
.Ltmp0:
0x20: {  	s18 =	sadd.s32 s20, s18;
	[sflag:s17] =	ssyncset.done $0x0;
	(pc) =	sbr.rel @!p1 .LBB2_2-.Ltmp0, $4  }
0x21: {  	s18 =	sadd.s32 $0x1C00, s18;
	[sflag:s17] =	ssyncadd.s32 $0xFFFFC000  }
0x22: {  	[hbm4b:s18+s3] =	stream.linear.scatter [tilespmem:s7], [sflag:$0x3], $0x8000, $0x38;
	[tilespmem:$0x8980] =	vst v63  }
0x23: {  	_ =	swait.ge [sflag:s4], $0x8000  }
0x24: {  	[sflag:s4] =	ssyncset.done $0x0  }
.LBB2_1:
0x25: {  	s19 =	sadd.s32 $0xFFFFFFFF, s19;
	[sflag:s4] =	ssyncadd.s32 $0xFFFF8000  }
0x26: {  	[tilespmem:s3], [sflag:$0x3] =	stream.linear.gather [hbm4b:s5+s3], $0x100, $0x38;
	[tilespmem:$0x8980] =	vst v63  }
0x27: {  	p1 =	sne.s32 s19, $0x0;
	_ =	swait.ge [sflag:s4], $0x100  }
0x28: {  	[sflag:s4] =	ssyncset.done $0x0  }
0x29: {  	[sflag:s4] =	ssyncadd.s32 $0xFFFFFF00  }
0x2a: {  	[tilespmem:s7], [sflag:$0x1] =	stream.indirect.gather [hbm4b:s2+s6], $0x80, s3, s6, $0xb8;
	[tilespmem:$0x8980] =	vst v63  }
0x2b: {  	_ = 	snop  }
0x2c: {  	[tilespmem:s9], [sflag:$0x1] =	stream.indirect.gather [hbm4b:s2+s6], $0x80, s6, s6, $0xb8;
	[tilespmem:$0x8980] =	vst v63  }
0x2d: {  	_ = 	snop  }
0x2e: {  	[tilespmem:s11], [sflag:$0x3] =	stream.linear.gather @!p0 [hbm4b:s8+s10], $0x80, $0x38;
	[tilespmem:$0x8980] =	vst v63  }
0x2f: {  	_ =	swait.ge @!p0 [sflag:s12], $0x80  }
0x30: {  	[sflag:s12] =	ssyncset.done @!p0 $0x0  }
0x31: {  	[sflag:s12] =	ssyncadd.s32 @!p0 $0xFFFFFF80  }
0x32: {  	[tilespmem:s15], [sflag:$0x2] =	stream.indirect.gather @!p0 [hbm4b:s2+s14], $0x80, s11, s14, $0xb8;
	[tilespmem:$0x8980] =	vst v63  }
0x33: {  	_ =	swait.ge @!p0 [sflag:s13], $0x800  }
0x34: {  	[sflag:s13] =	ssyncset.done @!p0 $0x0  }
0x35: {  	[sflag:s13] =	ssyncadd.s32 @!p0 $0xFFFFF800  }
0x36: {  	[hbm4b:s16+s10] =	stream.linear.scatter @!p0 [tilespmem:s15], [sflag:$0x2], $0x800, $0x38;
	[tilespmem:$0x8980] =	vst v63  }
0x37: {  	_ =	swait.ge @!p0 [sflag:s13], $0x800  }
0x38: {  	[sflag:s13] =	ssyncset.done @!p0 $0x0  }
0x39: {  	[sflag:s13] =	ssyncadd.s32 @!p0 $0xFFFFF800  }
0x3a: {  	_ =	swait.ge [sflag:s17], $0x4000  }
0x3b: {  	[sflag:s17] =	ssyncset.done $0x0  }
0x3c: {  	[sflag:s17] =	ssyncadd.s32 $0xFFFFC000  }
0x3d: {  	_ =	swait.ge [sflag:s17], $0x4000  }
.Ltmp1:
0x3e: {  	[sflag:s17] =	ssyncset.done $0x0;
	(pc) =	sbr.rel @p1 .LBB2_1-.Ltmp1, $4  }
0x3f: {  	[sflag:s17] =	ssyncadd.s32 $0xFFFFC000  }
0x40: {  	[hbm4b:s18+s3] =	stream.linear.scatter [tilespmem:s7], [sflag:$0x3], $0x8000, $0x38;
	[tilespmem:$0x8980] =	vst v63  }
0x41: {  	_ =	swait.ge [sflag:s4], $0x8000  }
0x42: {  	[sflag:s4] =	ssyncset.done $0x0  }
.LBB2_2:
0x43: {  	[sflag:s4] =	ssyncadd.s32 $0xFFFF8000  }
0x44: {  	_ =	sfence.sel $0x180000  }
0x45: {  	[bflag:$0x0] =	sbarrier.arrive $0xFFFF  }
0x46: {  	p0 =	sne.s32 s0, $0x0;
	_ =	strace $0x90000047  }
0x47: {  	s0 =	sadd.s32 @!p0 $0x100000, s1;
	[bflag:$0x2] =	sbarrier.arrive $0xFFFF  }
0x48: {  	[sflag:s0] =	ssyncadd.tile.s32 @!p0 $0x1;
	_ =	shalt  }
.Lfunc_end2:
_tile_overlayer_lowered:
.L_overlay_start_2:
0x49: {  	(tag) =	ssettag $0x2  }
0x4a: {  	s0 =	rddreg [dreg:$0x0];
	s2 =	stileid.u32  }
0x4b: {  	s1 =	rddreg [dreg:$0x1];
	p0 =	sne.s32 s2, $0x0  }
0x4c: {  	s3 =	rddreg [dreg:$0x2];
	[bflag:$0x3] =	sbarrier.arrive $0xFFFF;
	s2 =	simm.s32 @!p0 $0x1C03  }
0x4d: {  	[timem:s3], [sflag:s2] =	dma.local @!p0 [hbm:s0], s1  }
0x4e: {  	s0 =	simm.s32 @!p0 $0x3  }
0x4f: {  	_ =	swait.ge @!p0 [sflag:s0], s1  }
0x50: {  	s1 =	ssub.s32 @!p0 $0x0, s1;
	[sflag:s0] =	ssyncset.done @!p0 $0x0  }
0x51: {  	[sflag:s0] =	ssyncadd.s32 @!p0 s1  }
0x52: {  	[bflag:$0x3] =	sbarrier.arrive $0xFFFF  }
0x53: {  	_ =	shalt  }

</sc_bundles>
